<compile_context>
chip_gen: v7x
topology: tpu7x:2x2x1
jax: 0.10.2.dev20260603
libtpu: 0.0.44.dev20260713+nightly
codegen_flags: <defaults>
</compile_context>

<pallas_src>
import functools

import jax
import jax.numpy as jnp
from jax import lax
from jax.experimental import pallas as pl
from jax.experimental.pallas import tpu as pltpu
from jax.experimental.pallas import tpu_sc as plsc

_NC = 2
_NS = 16
_NW = _NC * _NS
_CH = 128


def _make_sc_layer1(NP, CPW):
  RPT = NP // _NS
  mesh = plsc.VectorSubcoreMesh(core_axis_name="c", subcore_axis_name="s")

  @functools.partial(
      pl.kernel,
      mesh=mesh,
      compiler_params=pltpu.CompilerParams(use_tc_tiling_on_sc=False),
      out_type=[
          jax.ShapeDtypeStruct((_NC, NP, 4, 16), jnp.float32),
          jax.ShapeDtypeStruct((_NC, NP, 16), jnp.float32),
      ],
      scratch_types=[
          pltpu.VMEM((_CH,), jnp.int32),
          pltpu.VMEM((_CH,), jnp.int32),
          pltpu.VMEM((_CH, 16), jnp.float32),
          pltpu.VMEM((_CH, 16), jnp.float32),
          pltpu.VMEM((_CH, 4, 16), jnp.float32),
          pltpu.VMEM((_CH,), jnp.int32),
          pltpu.VMEM((_CH,), jnp.int32),
          pltpu.VMEM((_CH, 16), jnp.float32),
          pltpu.VMEM((_CH, 16), jnp.float32),
          pltpu.VMEM((_CH, 4, 16), jnp.float32),
          pltpu.VMEM((_CH, 16), jnp.float32),
          pltpu.VMEM((_CH, 4, 16), jnp.float32),
          pltpu.VMEM_SHARED((NP, 4, 16), jnp.float32),
          pltpu.VMEM_SHARED((NP, 16), jnp.float32),
          pltpu.SemaphoreType.DMA,
          pltpu.SemaphoreType.DMA,
      ],
  )
  def k(src_h, dst_h, ts_h, td_h, hh_h, z64_h, z16_h, outp, denp,
        src_v0, dst_v0, ts_v0, td_v0, h_v0,
        src_v1, dst_v1, ts_v1, td_v1, h_v1,
        ex_v, msg_v, out_sh, den_sh, sem0, sem1):
    cid = lax.axis_index("c")
    sid = lax.axis_index("s")

    @pl.when(sid == 0)
    def _init():
      pltpu.sync_copy(z64_h, out_sh)
      pltpu.sync_copy(z16_h, den_sh)

    plsc.subcore_barrier()
    wid = sid * _NC + cid
    bufs = ((src_v0, dst_v0, ts_v0, td_v0, h_v0, sem0),
            (src_v1, dst_v1, ts_v1, td_v1, h_v1, sem1))

    def fire(q, bi):
      src_v, dst_v, ts_v, td_v, h_v, sem = bufs[bi]
      base = (wid * CPW + q) * _CH
      c1 = pltpu.async_copy(src_h.at[pl.ds(base, _CH)], src_v, sem)
      c2 = pltpu.async_copy(dst_h.at[pl.ds(base, _CH)], dst_v, sem)
      c1.wait()
      c2.wait()
      pltpu.async_copy(ts_h.at[src_v], ts_v, sem)
      pltpu.async_copy(td_h.at[dst_v], td_v, sem)
      pltpu.async_copy(hh_h.at[src_v], h_v, sem)

    def drain(bi):
      src_v, dst_v, ts_v, td_v, h_v, sem = bufs[bi]
      pltpu.make_async_copy(ts_h.at[pl.ds(0, _CH)], ts_v, sem).wait()
      pltpu.make_async_copy(td_h.at[pl.ds(0, _CH)], td_v, sem).wait()
      pltpu.make_async_copy(hh_h.at[pl.ds(0, _CH)], h_v, sem).wait()

    def compute(bi):
      src_v, dst_v, ts_v, td_v, h_v, sem = bufs[bi]

      def edge_body(e, c2):
        al = ts_v[e] + td_v[e]
        al = jnp.maximum(al, al * 0.2)
        ex = jnp.exp(al)
        m8 = jnp.arange(16, dtype=jnp.int32) < 8
        ex = jnp.where(m8, ex, 0.0)
        ex_v[e] = ex
        for kk in range(4):
          b0 = jnp.full((16,), ex[2 * kk], dtype=jnp.float32)
          b1 = jnp.full((16,), ex[2 * kk + 1], dtype=jnp.float32)
          ev = jnp.where(m8, b0, b1)
          msg_v[e, kk] = ev * h_v[e, kk]
        return c2

      lax.fori_loop(0, _CH, edge_body, 0)
      pltpu.sync_copy(msg_v, out_sh.at[dst_v], add=True)
      pltpu.sync_copy(ex_v, den_sh.at[dst_v], add=True)

    fire(0, 0)
    pairs, rem = divmod(CPW - 1, 2)

    def pair_body(jp, carry):
      q0 = jp * 2
      fire(q0 + 1, 1)
      drain(0)
      compute(0)
      fire(q0 + 2, 0)
      drain(1)
      compute(1)
      return carry

    lax.fori_loop(0, pairs, pair_body, 0)
    q = pairs * 2
    if rem:
      fire(q + 1, (q + 1) % 2)
      drain(q % 2)
      compute(q % 2)
      q += 1
    drain(q % 2)
    compute(q % 2)
    plsc.subcore_barrier()
    pltpu.sync_copy(out_sh.at[pl.ds(sid * RPT, RPT)],
                    outp.at[cid, pl.ds(sid * RPT, RPT)])
    pltpu.sync_copy(den_sh.at[pl.ds(sid * RPT, RPT)],
                    denp.at[cid, pl.ds(sid * RPT, RPT)])

  return k


def _make_sc_layer2(NP, CPW):
  RPT = NP // _NS
  mesh = plsc.VectorSubcoreMesh(core_axis_name="c", subcore_axis_name="s")

  @functools.partial(
      pl.kernel,
      mesh=mesh,
      compiler_params=pltpu.CompilerParams(use_tc_tiling_on_sc=False),
      out_type=[jax.ShapeDtypeStruct((_NC, NP, 16), jnp.float32)],
      scratch_types=[
          pltpu.VMEM((_CH,), jnp.int32),
          pltpu.VMEM((_CH,), jnp.int32),
          pltpu.VMEM((_CH, 16), jnp.float32),
          pltpu.VMEM((_CH, 16), jnp.float32),
          pltpu.VMEM((_CH, 16), jnp.float32),
          pltpu.VMEM((_CH,), jnp.int32),
          pltpu.VMEM((_CH,), jnp.int32),
          pltpu.VMEM((_CH, 16), jnp.float32),
          pltpu.VMEM((_CH, 16), jnp.float32),
          pltpu.VMEM((_CH, 16), jnp.float32),
          pltpu.VMEM((_CH, 16), jnp.float32),
          pltpu.VMEM_SHARED((NP, 16), jnp.float32),
          pltpu.SemaphoreType.DMA,
          pltpu.SemaphoreType.DMA,
      ],
  )
  def k(src_h, dst_h, t2s_h, t2d_h, g2_h, z16_h, outp,
        src_v0, dst_v0, ts_v0, td_v0, g_v0,
        src_v1, dst_v1, ts_v1, td_v1, g_v1,
        msg_v, out_sh, sem0, sem1):
    cid = lax.axis_index("c")
    sid = lax.axis_index("s")

    @pl.when(sid == 0)
    def _init():
      pltpu.sync_copy(z16_h, out_sh)

    plsc.subcore_barrier()
    wid = sid * _NC + cid
    bufs = ((src_v0, dst_v0, ts_v0, td_v0, g_v0, sem0),
            (src_v1, dst_v1, ts_v1, td_v1, g_v1, sem1))

    def fire(q, bi):
      src_v, dst_v, ts_v, td_v, g_v, sem = bufs[bi]
      base = (wid * CPW + q) * _CH
      c1 = pltpu.async_copy(src_h.at[pl.ds(base, _CH)], src_v, sem)
      c2 = pltpu.async_copy(dst_h.at[pl.ds(base, _CH)], dst_v, sem)
      c1.wait()
      c2.wait()
      pltpu.async_copy(t2s_h.at[src_v], ts_v, sem)
      pltpu.async_copy(t2d_h.at[dst_v], td_v, sem)
      pltpu.async_copy(g2_h.at[src_v], g_v, sem)

    def drain(bi):
      src_v, dst_v, ts_v, td_v, g_v, sem = bufs[bi]
      pltpu.make_async_copy(t2s_h.at[pl.ds(0, _CH)], ts_v, sem).wait()
      pltpu.make_async_copy(t2d_h.at[pl.ds(0, _CH)], td_v, sem).wait()
      pltpu.make_async_copy(g2_h.at[pl.ds(0, _CH)], g_v, sem).wait()

    def compute(bi):
      src_v, dst_v, ts_v, td_v, g_v, sem = bufs[bi]

      def edge_body(e, c2):
        al = ts_v[e] + td_v[e]
        al = jnp.maximum(al, al * 0.2)
        ex = jnp.exp(al)
        ev = jnp.full((16,), ex[0], dtype=jnp.float32)
        msg_v[e] = ev * g_v[e]
        return c2

      lax.fori_loop(0, _CH, edge_body, 0)
      pltpu.sync_copy(msg_v, out_sh.at[dst_v], add=True)

    fire(0, 0)
    pairs, rem = divmod(CPW - 1, 2)

    def pair_body(jp, carry):
      q0 = jp * 2
      fire(q0 + 1, 1)
      drain(0)
      compute(0)
      fire(q0 + 2, 0)
      drain(1)
      compute(1)
      return carry

    lax.fori_loop(0, pairs, pair_body, 0)
    q = pairs * 2
    if rem:
      fire(q + 1, (q + 1) % 2)
      drain(q % 2)
      compute(q % 2)
      q += 1
    drain(q % 2)
    compute(q % 2)
    plsc.subcore_barrier()
    pltpu.sync_copy(out_sh.at[pl.ds(sid * RPT, RPT)],
                    outp.at[cid, pl.ds(sid * RPT, RPT)])

  return k


def _tc_prep(x_p, W1, As16, Ad16, NP):
  BLK = 1024

  def body(x_ref, w_ref, as_ref, ad_ref, ts_ref, td_ref, h_ref):
    h = jnp.dot(x_ref[...], w_ref[...], preferred_element_type=jnp.float32)
    h_ref[...] = h
    ts_ref[...] = jnp.dot(h, as_ref[...], preferred_element_type=jnp.float32)
    td_ref[...] = jnp.dot(h, ad_ref[...], preferred_element_type=jnp.float32)

  return pl.pallas_call(
      body,
      grid=(NP // BLK,),
      in_specs=[
          pl.BlockSpec((BLK, 128), lambda i: (i, 0)),
          pl.BlockSpec((128, 64), lambda i: (0, 0)),
          pl.BlockSpec((64, 16), lambda i: (0, 0)),
          pl.BlockSpec((64, 16), lambda i: (0, 0)),
      ],
      out_specs=[
          pl.BlockSpec((BLK, 16), lambda i: (i, 0)),
          pl.BlockSpec((BLK, 16), lambda i: (i, 0)),
          pl.BlockSpec((BLK, 64), lambda i: (i, 0)),
      ],
      out_shape=[
          jax.ShapeDtypeStruct((NP, 16), jnp.float32),
          jax.ShapeDtypeStruct((NP, 16), jnp.float32),
          jax.ShapeDtypeStruct((NP, 64), jnp.float32),
      ],
  )(x_p, W1, As16, Ad16)


def _tc_mid(outp, denp, B16, b1r, W2s16, W2d16, W2g16, NP):
  BLK = 1024

  def body(o_ref, d_ref, b16_ref, b1_ref, ws_ref, wd_ref, wg_ref,
           t2s_ref, t2d_ref, g2_ref):
    o = o_ref[0] + o_ref[1]
    d = d_ref[0] + d_ref[1]
    dmat = jnp.dot(d, b16_ref[...], preferred_element_type=jnp.float32)
    z = o / (dmat + 1e-16) + b1_ref[...]
    h1 = jnp.where(z > 0, z, jnp.exp(z) - 1.0)
    t2s_ref[...] = jnp.dot(h1, ws_ref[...], preferred_element_type=jnp.float32)
    t2d_ref[...] = jnp.dot(h1, wd_ref[...], preferred_element_type=jnp.float32)
    g2 = jnp.dot(h1, wg_ref[...], preferred_element_type=jnp.float32)
    col = lax.broadcasted_iota(jnp.int32, (g2.shape[0], 16), 1)
    g2_ref[...] = jnp.where(col == 1, 1.0, g2)

  return pl.pallas_call(
      body,
      grid=(NP // BLK,),
      in_specs=[
          pl.BlockSpec((2, BLK, 64), lambda i: (0, i, 0)),
          pl.BlockSpec((2, BLK, 16), lambda i: (0, i, 0)),
          pl.BlockSpec((16, 64), lambda i: (0, 0)),
          pl.BlockSpec((1, 64), lambda i: (0, 0)),
          pl.BlockSpec((64, 16), lambda i: (0, 0)),
          pl.BlockSpec((64, 16), lambda i: (0, 0)),
          pl.BlockSpec((64, 16), lambda i: (0, 0)),
      ],
      out_specs=[
          pl.BlockSpec((BLK, 16), lambda i: (i, 0)),
          pl.BlockSpec((BLK, 16), lambda i: (i, 0)),
          pl.BlockSpec((BLK, 16), lambda i: (i, 0)),
      ],
      out_shape=[
          jax.ShapeDtypeStruct((NP, 16), jnp.float32),
          jax.ShapeDtypeStruct((NP, 16), jnp.float32),
          jax.ShapeDtypeStruct((NP, 16), jnp.float32),
      ],
  )(outp, denp, B16, b1r, W2s16, W2d16, W2g16)


def _tc_final(out2p, b2r, NP):
  BLK = 1024

  def body(o_ref, b2_ref, res_ref):
    o = o_ref[0] + o_ref[1]
    num = o[:, 0:1]
    den = o[:, 1:2]
    z = num / (den + 1e-16) + b2_ref[...]
    res = 1.0 / (1.0 + jnp.exp(-z))
    res_ref[...] = jnp.broadcast_to(res, (res.shape[0], 16))

  return pl.pallas_call(
      body,
      grid=(NP // BLK,),
      in_specs=[
          pl.BlockSpec((2, BLK, 16), lambda i: (0, i, 0)),
          pl.BlockSpec((1, 1), lambda i: (0, 0)),
      ],
      out_specs=pl.BlockSpec((BLK, 16), lambda i: (i, 0)),
      out_shape=jax.ShapeDtypeStruct((NP, 16), jnp.float32),
  )(out2p, b2r)


@jax.jit
def kernel(x, edge_index, W1, att_src1, att_dst1, b1, W2, att_src2,
           att_dst2, b2):
  N, D = x.shape
  E = edge_index.shape[1]
  HEADS = att_src1.shape[1]
  HID = att_src1.shape[2]
  HH = HEADS * HID

  NP = ((N + 1 + 2047) // 2048) * 2048
  CPW = -(-E // (_NW * _CH))
  E_pad = _NW * _CH * CPW

  x_p = jnp.pad(x, ((0, NP - N), (0, 0)))
  src_p = jnp.concatenate(
      [edge_index[0], jnp.zeros((E_pad - E,), jnp.int32)])
  dst_p = jnp.concatenate(
      [edge_index[1], jnp.full((E_pad - E,), N, jnp.int32)])

  r64 = jnp.arange(HH)
  As16 = jnp.zeros((HH, 16), jnp.float32).at[r64, r64 // HID].set(
      att_src1[0].reshape(HH))
  Ad16 = jnp.zeros((HH, 16), jnp.float32).at[r64, r64 // HID].set(
      att_dst1[0].reshape(HH))
  B16 = jnp.zeros((16, HH), jnp.float32).at[r64 // HID, r64].set(1.0)
  b1r = b1.reshape(1, HH)
  W2s16 = jnp.pad(W2 * att_src2[0, 0, 0], ((0, 0), (0, 15)))
  W2d16 = jnp.pad(W2 * att_dst2[0, 0, 0], ((0, 0), (0, 15)))
  W2g16 = jnp.pad(W2, ((0, 0), (0, 15)))
  b2r = b2.reshape(1, 1)
  z64 = jnp.zeros((NP, 4, 16), jnp.float32)
  z16 = jnp.zeros((NP, 16), jnp.float32)

  ts, td, h = _tc_prep(x_p, W1, As16, Ad16, NP)
  h4 = h.reshape(NP, 4, 16)
  outp, denp = _make_sc_layer1(NP, CPW)(
      src_p, dst_p, ts, td, h4, z64, z16)
  outp = outp.reshape(_NC, NP, HH)

  t2s, t2d, g2 = _tc_mid(outp, denp, B16, b1r, W2s16, W2d16, W2g16, NP)

  (out2p,) = _make_sc_layer2(NP, CPW)(src_p, dst_p, t2s, t2d, g2, z16)

  res = _tc_final(out2p, b2r, NP)
  return res[:N, 0:1]

# --- scband reference (transcript-rebuilt; emitter-appended) ---
"""Pipeline reference for scband-gat-28724741275648 (READ-ONLY COPY).

The authoritative reference and input builder live on the scoring server;
editing this copy changes nothing except your own understanding.
"""

import jax, jax.numpy as jnp
import numpy as np

N = 10000
E = 320000
D = 128
HID = 8
HEADS = 8


def setup_inputs(seed: int = 0) -> dict:
    key = jax.random.key(seed)
    ks = jax.random.split(key, 10)
    x = jax.random.normal(ks[0], (N, D), dtype=jnp.float32)
    edge_index = jax.random.randint(ks[1], (2, E), 0, N, dtype=jnp.int32)
    W1 = jax.random.normal(ks[2], (D, HEADS * HID), dtype=jnp.float32) * 0.1
    att_src1 = jax.random.normal(ks[3], (1, HEADS, HID), dtype=jnp.float32) * 0.1
    att_dst1 = jax.random.normal(ks[4], (1, HEADS, HID), dtype=jnp.float32) * 0.1
    b1 = jnp.zeros((HEADS * HID,), dtype=jnp.float32)
    W2 = jax.random.normal(ks[5], (HEADS * HID, 1), dtype=jnp.float32) * 0.1
    att_src2 = jax.random.normal(ks[6], (1, 1, 1), dtype=jnp.float32) * 0.1
    att_dst2 = jax.random.normal(ks[7], (1, 1, 1), dtype=jnp.float32) * 0.1
    b2 = jnp.zeros((1,), dtype=jnp.float32)
    return {"x": x, "edge_index": edge_index, "W1": W1, "att_src1": att_src1,
            "att_dst1": att_dst1, "b1": b1, "W2": W2, "att_src2": att_src2,
            "att_dst2": att_dst2, "b2": b2}


def _gat_conv(x, edge_index, W, att_src, att_dst, bias, heads, out_c, concat):
    n = x.shape[0]
    src = edge_index[0]
    dst = edge_index[1]
    h = (x @ W).reshape(n, heads, out_c)
    a_src = jnp.sum(h * att_src, axis=-1)  # [N, H]
    a_dst = jnp.sum(h * att_dst, axis=-1)  # [N, H]
    alpha = a_src[src] + a_dst[dst]        # [E, H]
    alpha = jax.nn.leaky_relu(alpha, negative_slope=0.2)
    amax = jax.ops.segment_max(alpha, dst, num_segments=n)
    amax = jnp.where(jnp.isfinite(amax), amax, 0.0)
    amax = jax.lax.stop_gradient(amax)
    ex = jnp.exp(alpha - amax[dst])
    denom = jax.ops.segment_sum(ex, dst, num_segments=n)
    coef = ex / (denom[dst] + 1e-16)       # softmax over incoming edges per dst
    msg = h[src] * coef[:, :, None]        # [E, H, C]
    out = jax.ops.segment_sum(msg, dst, num_segments=n)
    if concat:
        out = out.reshape(n, heads * out_c)
    else:
        out = out.mean(axis=1)
    return out + bias


def reference(x, edge_index, W1, att_src1, att_dst1, b1, W2, att_src2, att_dst2, b2):
    # dropout p=d1=d2=0.0 (disabled / eval mode), so it is the identity
    h = _gat_conv(x, edge_index, W1, att_src1, att_dst1, b1, HEADS, HID, True)
    h = jax.nn.elu(h)
    out = _gat_conv(h, edge_index, W2, att_src2, att_dst2, b2, 1, 1, False)
    return jax.nn.sigmoid(out)

if __name__ == "__main__":
    import jax
    _d = setup_inputs()
    print(jax.jit(kernel)(*tuple(_d.values())))

</pallas_src>

<mosaic_0001>
#map = affine_map<(d0, d1) -> (0)>
#map1 = affine_map<(d0, d1) -> (0, 0)>
#map2 = affine_map<(d0, d1) -> (0, 0, 0)>
#map3 = affine_map<(d0, d1) -> (0, 0, 0, 0)>
module attributes {stable_mosaic.version = 14 : i64} {
  func.func @k(%arg0: i32, %arg1: i32, %arg2: memref<323584xi32, #tpu.memory_space<hbm>>, %arg3: memref<323584xi32, #tpu.memory_space<hbm>>, %arg4: memref<10240x16xf32, #tpu.memory_space<hbm>>, %arg5: memref<10240x16xf32, #tpu.memory_space<hbm>>, %arg6: memref<10240x4x16xf32, #tpu.memory_space<hbm>>, %arg7: memref<10240x4x16xf32, #tpu.memory_space<hbm>>, %arg8: memref<10240x16xf32, #tpu.memory_space<hbm>>, %arg9: memref<2x10240x4x16xf32, #tpu.memory_space<hbm>>, %arg10: memref<2x10240x16xf32, #tpu.memory_space<hbm>>, %arg11: memref<128xi32, #tpu.memory_space<vmem>>, %arg12: memref<128xi32, #tpu.memory_space<vmem>>, %arg13: memref<128x16xf32, #tpu.memory_space<vmem>>, %arg14: memref<128x16xf32, #tpu.memory_space<vmem>>, %arg15: memref<128x4x16xf32, #tpu.memory_space<vmem>>, %arg16: memref<128xi32, #tpu.memory_space<vmem>>, %arg17: memref<128xi32, #tpu.memory_space<vmem>>, %arg18: memref<128x16xf32, #tpu.memory_space<vmem>>, %arg19: memref<128x16xf32, #tpu.memory_space<vmem>>, %arg20: memref<128x4x16xf32, #tpu.memory_space<vmem>>, %arg21: memref<128x16xf32, #tpu.memory_space<vmem>>, %arg22: memref<128x4x16xf32, #tpu.memory_space<vmem>>, %arg23: memref<10240x4x16xf32, #tpu.memory_space<vmem_shared>>, %arg24: memref<10240x16xf32, #tpu.memory_space<vmem_shared>>, %arg25: memref<!tpu.dma_semaphore, #tpu.memory_space<semaphore_mem>>, %arg26: memref<!tpu.dma_semaphore, #tpu.memory_space<semaphore_mem>>) attributes {dimension_semantics = [#tpu.dimension_semantics<core_parallel>, #tpu.dimension_semantics<subcore_parallel>], iteration_bounds = array<i64: 2, 16>, scalar_prefetch = 0 : i64, scratch_operands = 16 : i64, tpu.core_type = #tpu.core_type<sc_vector_subcore>, window_params = [{transform_indices = #map}, {transform_indices = #map}, {transform_indices = #map1}, {transform_indices = #map1}, {transform_indices = #map2}, {transform_indices = #map2}, {transform_indices = #map1}, {transform_indices = #map3}, {transform_indices = #map2}]} {
    %eq3A = arith.constant 0 : i32
    %eq3A_0 = arith.cmpi eq, %arg1, %eq3A : i32
    %convert_element_type3A = arith.extui %eq3A_0 : i1 to i32
    %cond3A = arith.constant 0 : i32
    %cond3A_1 = arith.cmpi ne, %convert_element_type3A, %cond3A : i32
    scf.if %cond3A_1 {
      "tpu.region"() ({
        %run_scoped3A = tpu.sem_alloc : memref<!tpu.dma_semaphore, #tpu.memory_space<semaphore_mem>>
        tpu.enqueue_dma source(%arg7 : memref<10240x4x16xf32, #tpu.memory_space<hbm>>) target(%arg23 : memref<10240x4x16xf32, #tpu.memory_space<vmem_shared>>) target_semaphore(%run_scoped3A : memref<!tpu.dma_semaphore, #tpu.memory_space<semaphore_mem>>)
        tpu.wait_dma2 semaphore(%run_scoped3A : memref<!tpu.dma_semaphore, #tpu.memory_space<semaphore_mem>>) src(%arg7 : memref<10240x4x16xf32, #tpu.memory_space<hbm>>) dst(%arg23 : memref<10240x4x16xf32, #tpu.memory_space<vmem_shared>>)
        tpu.yield
      }) : () -> ()
      "tpu.region"() ({
        %run_scoped3A = tpu.sem_alloc : memref<!tpu.dma_semaphore, #tpu.memory_space<semaphore_mem>>
        tpu.enqueue_dma source(%arg8 : memref<10240x16xf32, #tpu.memory_space<hbm>>) target(%arg24 : memref<10240x16xf32, #tpu.memory_space<vmem_shared>>) target_semaphore(%run_scoped3A : memref<!tpu.dma_semaphore, #tpu.memory_space<semaphore_mem>>)
        tpu.wait_dma2 semaphore(%run_scoped3A : memref<!tpu.dma_semaphore, #tpu.memory_space<semaphore_mem>>) src(%arg8 : memref<10240x16xf32, #tpu.memory_space<hbm>>) dst(%arg24 : memref<10240x16xf32, #tpu.memory_space<vmem_shared>>)
        tpu.yield
      }) : () -> ()
    } else {
    }
    %barrier3A = arith.constant 0 : index
    tpu.barrier barrier_id(%barrier3A)
    %mul3A = arith.constant 2 : i32
    %mul3A_2 = arith.muli %arg1, %mul3A : i32
    %add3A = arith.addi %mul3A_2, %arg0 : i32
    %mul3A_3 = arith.constant 79 : i32
    %mul3A_4 = arith.muli %add3A, %mul3A_3 : i32
    %add3A_5 = arith.constant 0 : i32
    %add3A_6 = arith.addi %mul3A_4, %add3A_5 : i32
    %mul3A_7 = arith.constant 128 : i32
    %mul3A_8 = arith.muli %add3A_6, %mul3A_7 : i32
    %dma_start3A = tpu.memref_slice %arg2[%mul3A_8] : memref<323584xi32, #tpu.memory_space<hbm>> -> memref<128xi32, #tpu.memory_space<hbm>>
    %dma_start3A_9 = tpu.memref_slice %arg2[%mul3A_8] : memref<323584xi32, #tpu.memory_space<hbm>> -> memref<128xi32, #tpu.memory_space<hbm>>
    tpu.enqueue_dma source(%dma_start3A_9 : memref<128xi32, #tpu.memory_space<hbm>>) target(%arg11 : memref<128xi32, #tpu.memory_space<vmem>>) target_semaphore(%arg25 : memref<!tpu.dma_semaphore, #tpu.memory_space<semaphore_mem>>)
    %dma_start3A_10 = tpu.memref_slice %arg3[%mul3A_8] : memref<323584xi32, #tpu.memory_space<hbm>> -> memref<128xi32, #tpu.memory_space<hbm>>
    %dma_start3A_11 = tpu.memref_slice %arg3[%mul3A_8] : memref<323584xi32, #tpu.memory_space<hbm>> -> memref<128xi32, #tpu.memory_space<hbm>>
    tpu.enqueue_dma source(%dma_start3A_11 : memref<128xi32, #tpu.memory_space<hbm>>) target(%arg12 : memref<128xi32, #tpu.memory_space<vmem>>) target_semaphore(%arg25 : memref<!tpu.dma_semaphore, #tpu.memory_space<semaphore_mem>>)
    %dma_wait3A = tpu.memref_slice %arg2[%mul3A_8] : memref<323584xi32, #tpu.memory_space<hbm>> -> memref<128xi32, #tpu.memory_space<hbm>>
    %dma_wait3A_12 = tpu.memref_slice %arg2[%mul3A_8] : memref<323584xi32, #tpu.memory_space<hbm>> -> memref<128xi32, #tpu.memory_space<hbm>>
    tpu.wait_dma2 semaphore(%arg25 : memref<!tpu.dma_semaphore, #tpu.memory_space<semaphore_mem>>) src(%dma_wait3A_12 : memref<128xi32, #tpu.memory_space<hbm>>) dst(%arg11 : memref<128xi32, #tpu.memory_space<vmem>>)
    %dma_wait3A_13 = tpu.memref_slice %arg3[%mul3A_8] : memref<323584xi32, #tpu.memory_space<hbm>> -> memref<128xi32, #tpu.memory_space<hbm>>
    %dma_wait3A_14 = tpu.memref_slice %arg3[%mul3A_8] : memref<323584xi32, #tpu.memory_space<hbm>> -> memref<128xi32, #tpu.memory_space<hbm>>
    tpu.wait_dma2 semaphore(%arg25 : memref<!tpu.dma_semaphore, #tpu.memory_space<semaphore_mem>>) src(%dma_wait3A_14 : memref<128xi32, #tpu.memory_space<hbm>>) dst(%arg12 : memref<128xi32, #tpu.memory_space<vmem>>)
    %dma_start3A_15 = arith.constant 0 : i32
    %dma_start3A_16 = arith.constant 0 : i32
    %dma_start3A_17 = tpu.memref_slice %arg4[%dma_start3A_15, %dma_start3A_16] : memref<10240x16xf32, #tpu.memory_space<hbm>> -> memref<10240x16xf32, #tpu.memory_space<hbm>>
    tpu.enqueue_indirect_dma source(%dma_start3A_17 : memref<10240x16xf32, #tpu.memory_space<hbm>>) target(%arg13 : memref<128x16xf32, #tpu.memory_space<vmem>>) offsets(%arg11 : memref<128xi32, #tpu.memory_space<vmem>>) semaphore(%arg25 : memref<!tpu.dma_semaphore, #tpu.memory_space<semaphore_mem>>)
    %dma_start3A_18 = arith.constant 0 : i32
    %dma_start3A_19 = arith.constant 0 : i32
    %dma_start3A_20 = tpu.memref_slice %arg5[%dma_start3A_18, %dma_start3A_19] : memref<10240x16xf32, #tpu.memory_space<hbm>> -> memref<10240x16xf32, #tpu.memory_space<hbm>>
    tpu.enqueue_indirect_dma source(%dma_start3A_20 : memref<10240x16xf32, #tpu.memory_space<hbm>>) target(%arg14 : memref<128x16xf32, #tpu.memory_space<vmem>>) offsets(%arg12 : memref<128xi32, #tpu.memory_space<vmem>>) semaphore(%arg25 : memref<!tpu.dma_semaphore, #tpu.memory_space<semaphore_mem>>)
    %dma_start3A_21 = arith.constant 0 : i32
    %dma_start3A_22 = arith.constant 0 : i32
    %dma_start3A_23 = arith.constant 0 : i32
    %dma_start3A_24 = tpu.memref_slice %arg6[%dma_start3A_21, %dma_start3A_22, %dma_start3A_23] : memref<10240x4x16xf32, #tpu.memory_space<hbm>> -> memref<10240x4x16xf32, #tpu.memory_space<hbm>>
    tpu.enqueue_indirect_dma source(%dma_start3A_24 : memref<10240x4x16xf32, #tpu.memory_space<hbm>>) target(%arg15 : memref<128x4x16xf32, #tpu.memory_space<vmem>>) offsets(%arg11 : memref<128xi32, #tpu.memory_space<vmem>>) semaphore(%arg25 : memref<!tpu.dma_semaphore, #tpu.memory_space<semaphore_mem>>)
    %scan3A = arith.constant 0 : i32
    %scan3A_25 = arith.constant 0 : i32
    %scan3A_26 = arith.constant 39 : i32
    %scan3A_27 = arith.addi %scan3A_25, %scan3A_26 : i32
    %scan3A_28 = arith.constant 1 : i32
    scf.for %scan3A_65 = %scan3A_25 to %scan3A_27 step %scan3A_28  : i32 {
      %mul3A_66 = arith.constant 2 : i32
      %mul3A_67 = arith.muli %scan3A_65, %mul3A_66 : i32
      %add3A_68 = arith.constant 1 : i32
      %add3A_69 = arith.addi %mul3A_67, %add3A_68 : i32
      %mul3A_70 = arith.constant 79 : i32
      %mul3A_71 = arith.muli %add3A, %mul3A_70 : i32
      %add3A_72 = arith.addi %mul3A_71, %add3A_69 : i32
      %mul3A_73 = arith.constant 128 : i32
      %mul3A_74 = arith.muli %add3A_72, %mul3A_73 : i32
      %dma_start3A_75 = tpu.memref_slice %arg2[%mul3A_74] : memref<323584xi32, #tpu.memory_space<hbm>> -> memref<128xi32, #tpu.memory_space<hbm>>
      %dma_start3A_76 = tpu.memref_slice %arg2[%mul3A_74] : memref<323584xi32, #tpu.memory_space<hbm>> -> memref<128xi32, #tpu.memory_space<hbm>>
      tpu.enqueue_dma source(%dma_start3A_76 : memref<128xi32, #tpu.memory_space<hbm>>) target(%arg16 : memref<128xi32, #tpu.memory_space<vmem>>) target_semaphore(%arg26 : memref<!tpu.dma_semaphore, #tpu.memory_space<semaphore_mem>>)
      %dma_start3A_77 = tpu.memref_slice %arg3[%mul3A_74] : memref<323584xi32, #tpu.memory_space<hbm>> -> memref<128xi32, #tpu.memory_space<hbm>>
      %dma_start3A_78 = tpu.memref_slice %arg3[%mul3A_74] : memref<323584xi32, #tpu.memory_space<hbm>> -> memref<128xi32, #tpu.memory_space<hbm>>
      tpu.enqueue_dma source(%dma_start3A_78 : memref<128xi32, #tpu.memory_space<hbm>>) target(%arg17 : memref<128xi32, #tpu.memory_space<vmem>>) target_semaphore(%arg26 : memref<!tpu.dma_semaphore, #tpu.memory_space<semaphore_mem>>)
      %dma_wait3A_79 = tpu.memref_slice %arg2[%mul3A_74] : memref<323584xi32, #tpu.memory_space<hbm>> -> memref<128xi32, #tpu.memory_space<hbm>>
      %dma_wait3A_80 = tpu.memref_slice %arg2[%mul3A_74] : memref<323584xi32, #tpu.memory_space<hbm>> -> memref<128xi32, #tpu.memory_space<hbm>>
      tpu.wait_dma2 semaphore(%arg26 : memref<!tpu.dma_semaphore, #tpu.memory_space<semaphore_mem>>) src(%dma_wait3A_80 : memref<128xi32, #tpu.memory_space<hbm>>) dst(%arg16 : memref<128xi32, #tpu.memory_space<vmem>>)
      %dma_wait3A_81 = tpu.memref_slice %arg3[%mul3A_74] : memref<323584xi32, #tpu.memory_space<hbm>> -> memref<128xi32, #tpu.memory_space<hbm>>
      %dma_wait3A_82 = tpu.memref_slice %arg3[%mul3A_74] : memref<323584xi32, #tpu.memory_space<hbm>> -> memref<128xi32, #tpu.memory_space<hbm>>
      tpu.wait_dma2 semaphore(%arg26 : memref<!tpu.dma_semaphore, #tpu.memory_space<semaphore_mem>>) src(%dma_wait3A_82 : memref<128xi32, #tpu.memory_space<hbm>>) dst(%arg17 : memref<128xi32, #tpu.memory_space<vmem>>)
      %dma_start3A_83 = arith.constant 0 : i32
      %dma_start3A_84 = arith.constant 0 : i32
      %dma_start3A_85 = tpu.memref_slice %arg4[%dma_start3A_83, %dma_start3A_84] : memref<10240x16xf32, #tpu.memory_space<hbm>> -> memref<10240x16xf32, #tpu.memory_space<hbm>>
      tpu.enqueue_indirect_dma source(%dma_start3A_85 : memref<10240x16xf32, #tpu.memory_space<hbm>>) target(%arg18 : memref<128x16xf32, #tpu.memory_space<vmem>>) offsets(%arg16 : memref<128xi32, #tpu.memory_space<vmem>>) semaphore(%arg26 : memref<!tpu.dma_semaphore, #tpu.memory_space<semaphore_mem>>)
      %dma_start3A_86 = arith.constant 0 : i32
      %dma_start3A_87 = arith.constant 0 : i32
      %dma_start3A_88 = tpu.memref_slice %arg5[%dma_start3A_86, %dma_start3A_87] : memref<10240x16xf32, #tpu.memory_space<hbm>> -> memref<10240x16xf32, #tpu.memory_space<hbm>>
      tpu.enqueue_indirect_dma source(%dma_start3A_88 : memref<10240x16xf32, #tpu.memory_space<hbm>>) target(%arg19 : memref<128x16xf32, #tpu.memory_space<vmem>>) offsets(%arg17 : memref<128xi32, #tpu.memory_space<vmem>>) semaphore(%arg26 : memref<!tpu.dma_semaphore, #tpu.memory_space<semaphore_mem>>)
      %dma_start3A_89 = arith.constant 0 : i32
      %dma_start3A_90 = arith.constant 0 : i32
      %dma_start3A_91 = arith.constant 0 : i32
      %dma_start3A_92 = tpu.memref_slice %arg6[%dma_start3A_89, %dma_start3A_90, %dma_start3A_91] : memref<10240x4x16xf32, #tpu.memory_space<hbm>> -> memref<10240x4x16xf32, #tpu.memory_space<hbm>>
      tpu.enqueue_indirect_dma source(%dma_start3A_92 : memref<10240x4x16xf32, #tpu.memory_space<hbm>>) target(%arg20 : memref<128x4x16xf32, #tpu.memory_space<vmem>>) offsets(%arg16 : memref<128xi32, #tpu.memory_space<vmem>>) semaphore(%arg26 : memref<!tpu.dma_semaphore, #tpu.memory_space<semaphore_mem>>)
      %dma_wait3A_93 = arith.constant 0 : i32
      %dma_wait3A_94 = arith.constant 0 : i32
      %dma_wait3A_95 = tpu.memref_slice %arg4[%dma_wait3A_93, %dma_wait3A_94] : memref<10240x16xf32, #tpu.memory_space<hbm>> -> memref<128x16xf32, #tpu.memory_space<hbm>>
      %dma_wait3A_96 = arith.constant 0 : i32
      %dma_wait3A_97 = arith.constant 0 : i32
      %dma_wait3A_98 = tpu.memref_slice %arg4[%dma_wait3A_96, %dma_wait3A_97] : memref<10240x16xf32, #tpu.memory_space<hbm>> -> memref<128x16xf32, #tpu.memory_space<hbm>>
      tpu.wait_dma2 semaphore(%arg25 : memref<!tpu.dma_semaphore, #tpu.memory_space<semaphore_mem>>) src(%dma_wait3A_98 : memref<128x16xf32, #tpu.memory_space<hbm>>) dst(%arg13 : memref<128x16xf32, #tpu.memory_space<vmem>>)
      %dma_wait3A_99 = arith.constant 0 : i32
      %dma_wait3A_100 = arith.constant 0 : i32
      %dma_wait3A_101 = tpu.memref_slice %arg5[%dma_wait3A_99, %dma_wait3A_100] : memref<10240x16xf32, #tpu.memory_space<hbm>> -> memref<128x16xf32, #tpu.memory_space<hbm>>
      %dma_wait3A_102 = arith.constant 0 : i32
      %dma_wait3A_103 = arith.constant 0 : i32
      %dma_wait3A_104 = tpu.memref_slice %arg5[%dma_wait3A_102, %dma_wait3A_103] : memref<10240x16xf32, #tpu.memory_space<hbm>> -> memref<128x16xf32, #tpu.memory_space<hbm>>
      tpu.wait_dma2 semaphore(%arg25 : memref<!tpu.dma_semaphore, #tpu.memory_space<semaphore_mem>>) src(%dma_wait3A_104 : memref<128x16xf32, #tpu.memory_space<hbm>>) dst(%arg14 : memref<128x16xf32, #tpu.memory_space<vmem>>)
      %dma_wait3A_105 = arith.constant 0 : i32
      %dma_wait3A_106 = arith.constant 0 : i32
      %dma_wait3A_107 = arith.constant 0 : i32
      %dma_wait3A_108 = tpu.memref_slice %arg6[%dma_wait3A_105, %dma_wait3A_106, %dma_wait3A_107] : memref<10240x4x16xf32, #tpu.memory_space<hbm>> -> memref<128x4x16xf32, #tpu.memory_space<hbm>>
      %dma_wait3A_109 = arith.constant 0 : i32
      %dma_wait3A_110 = arith.constant 0 : i32
      %dma_wait3A_111 = arith.constant 0 : i32
      %dma_wait3A_112 = tpu.memref_slice %arg6[%dma_wait3A_109, %dma_wait3A_110, %dma_wait3A_111] : memref<10240x4x16xf32, #tpu.memory_space<hbm>> -> memref<128x4x16xf32, #tpu.memory_space<hbm>>
      tpu.wait_dma2 semaphore(%arg25 : memref<!tpu.dma_semaphore, #tpu.memory_space<semaphore_mem>>) src(%dma_wait3A_112 : memref<128x4x16xf32, #tpu.memory_space<hbm>>) dst(%arg15 : memref<128x4x16xf32, #tpu.memory_space<vmem>>)
      %scan3A_113 = arith.constant 0 : i32
      %scan3A_114 = arith.constant 0 : i32
      %scan3A_115 = arith.constant 128 : i32
      %scan3A_116 = arith.addi %scan3A_114, %scan3A_115 : i32
      %scan3A_117 = arith.constant 1 : i32
      scf.for %scan3A_170 = %scan3A_114 to %scan3A_116 step %scan3A_117  : i32 {
        %get3A = arith.index_cast %scan3A_170 : i32 to index
        %get3A_171 = arith.constant 0 : index
        %get3A_172 = tpu.vector_load %arg13[%get3A, %get3A_171] {strides = array<i32>} : memref<128x16xf32, #tpu.memory_space<vmem>>, vector<1x16xf32>,
        %get3A_173 = vector.shape_cast %get3A_172 : vector<1x16xf32> to vector<16xf32>
        %get3A_174 = arith.index_cast %scan3A_170 : i32 to index
        %get3A_175 = arith.constant 0 : index
        %get3A_176 = tpu.vector_load %arg14[%get3A_174, %get3A_175] {strides = array<i32>} : memref<128x16xf32, #tpu.memory_space<vmem>>, vector<1x16xf32>,
        %get3A_177 = vector.shape_cast %get3A_176 : vector<1x16xf32> to vector<16xf32>
        %add3A_178 = arith.addf %get3A_173, %get3A_177 : vector<16xf32>
        %mul3A_179 = arith.constant 2.000000e-01 : f32
        %mul3A_180 = vector.broadcast %mul3A_179 : f32 to vector<16xf32>
        %mul3A_181 = arith.mulf %add3A_178, %mul3A_180 : vector<16xf32>
        %max3A = arith.maximumf %add3A_178, %mul3A_181 : vector<16xf32>
        %exp3A = math.exp %max3A : vector<16xf32>
        %iota3A = tpu.iota {dimensions = array<i32: 0>} : vector<16xi32>
        %lt3A = arith.constant 8 : i32
        %lt3A_182 = vector.broadcast %lt3A : i32 to vector<16xi32>
        %lt3A_183 = arith.cmpi slt, %iota3A, %lt3A_182 : vector<16xi32>
        %jit3A = arith.constant 0.000000e+00 : f32
        %broadcast_in_dim3A = vector.broadcast %jit3A : f32 to vector<16xf32>
        %select_n3A = arith.select %lt3A_183, %exp3A, %broadcast_in_dim3A : vector<16xi1>, vector<16xf32>
        %swap3A = arith.index_cast %scan3A_170 : i32 to index
        %swap3A_184 = arith.constant 0 : index
        %swap3A_185 = tpu.vector_load %arg21[%swap3A, %swap3A_184] {strides = array<i32>} : memref<128x16xf32, #tpu.memory_space<vmem>>, vector<1x16xf32>,
        %swap3A_186 = vector.shape_cast %swap3A_185 : vector<1x16xf32> to vector<16xf32>
        %swap3A_187 = vector.shape_cast %select_n3A : vector<16xf32> to vector<1x16xf32>
        tpu.vector_store %arg21[%swap3A, %swap3A_184], %swap3A_187 {strides = array<i32>} : memref<128x16xf32, #tpu.memory_space<vmem>>, vector<1x16xf32>,
        %slice3A = vector.extract_strided_slice %select_n3A {offsets = [0], sizes = [1], strides = [1]} : vector<16xf32> to vector<1xf32>
        %squeeze3A = vector.extract %slice3A[0] : f32 from vector<1xf32>
        %broadcast_in_dim3A_188 = vector.broadcast %squeeze3A : f32 to vector<16xf32>
        %slice3A_189 = vector.extract_strided_slice %select_n3A {offsets = [1], sizes = [1], strides = [1]} : vector<16xf32> to vector<1xf32>
        %squeeze3A_190 = vector.extract %slice3A_189[0] : f32 from vector<1xf32>
        %broadcast_in_dim3A_191 = vector.broadcast %squeeze3A_190 : f32 to vector<16xf32>
        %select_n3A_192 = arith.select %lt3A_183, %broadcast_in_dim3A_188, %broadcast_in_dim3A_191 : vector<16xi1>, vector<16xf32>
        %get3A_193 = arith.constant 0 : i32
        %get3A_194 = arith.index_cast %scan3A_170 : i32 to index
        %get3A_195 = arith.index_cast %get3A_193 : i32 to index
        %get3A_196 = arith.constant 0 : index
        %get3A_197 = tpu.vector_load %arg15[%get3A_194, %get3A_195, %get3A_196] {strides = array<i32>} : memref<128x4x16xf32, #tpu.memory_space<vmem>>, vector<1x1x16xf32>,
        %get3A_198 = vector.shape_cast %get3A_197 : vector<1x1x16xf32> to vector<16xf32>
        %mul3A_199 = arith.mulf %select_n3A_192, %get3A_198 : vector<16xf32>
        %swap3A_200 = arith.constant 0 : i32
        %swap3A_201 = arith.index_cast %scan3A_170 : i32 to index
        %swap3A_202 = arith.index_cast %swap3A_200 : i32 to index
        %swap3A_203 = arith.constant 0 : index
        %swap3A_204 = tpu.vector_load %arg22[%swap3A_201, %swap3A_202, %swap3A_203] {strides = array<i32>} : memref<128x4x16xf32, #tpu.memory_space<vmem>>, vector<1x1x16xf32>,
        %swap3A_205 = vector.shape_cast %swap3A_204 : vector<1x1x16xf32> to vector<16xf32>
        %swap3A_206 = vector.shape_cast %mul3A_199 : vector<16xf32> to vector<1x1x16xf32>
        tpu.vector_store %arg22[%swap3A_201, %swap3A_202, %swap3A_203], %swap3A_206 {strides = array<i32>} : memref<128x4x16xf32, #tpu.memory_space<vmem>>, vector<1x1x16xf32>,
        %slice3A_207 = vector.extract_strided_slice %select_n3A {offsets = [2], sizes = [1], strides = [1]} : vector<16xf32> to vector<1xf32>
        %squeeze3A_208 = vector.extract %slice3A_207[0] : f32 from vector<1xf32>
        %broadcast_in_dim3A_209 = vector.broadcast %squeeze3A_208 : f32 to vector<16xf32>
        %slice3A_210 = vector.extract_strided_slice %select_n3A {offsets = [3], sizes = [1], strides = [1]} : vector<16xf32> to vector<1xf32>
        %squeeze3A_211 = vector.extract %slice3A_210[0] : f32 from vector<1xf32>
        %broadcast_in_dim3A_212 = vector.broadcast %squeeze3A_211 : f32 to vector<16xf32>
        %select_n3A_213 = arith.select %lt3A_183, %broadcast_in_dim3A_209, %broadcast_in_dim3A_212 : vector<16xi1>, vector<16xf32>
        %get3A_214 = arith.constant 1 : i32
        %get3A_215 = arith.index_cast %scan3A_170 : i32 to index
        %get3A_216 = arith.index_cast %get3A_214 : i32 to index
        %get3A_217 = arith.constant 0 : index
        %get3A_218 = tpu.vector_load %arg15[%get3A_215, %get3A_216, %get3A_217] {strides = array<i32>} : memref<128x4x16xf32, #tpu.memory_space<vmem>>, vector<1x1x16xf32>,
        %get3A_219 = vector.shape_cast %get3A_218 : vector<1x1x16xf32> to vector<16xf32>
        %mul3A_220 = arith.mulf %select_n3A_213, %get3A_219 : vector<16xf32>
        %swap3A_221 = arith.constant 1 : i32
        %swap3A_222 = arith.index_cast %scan3A_170 : i32 to index
        %swap3A_223 = arith.index_cast %swap3A_221 : i32 to index
        %swap3A_224 = arith.constant 0 : index
        %swap3A_225 = tpu.vector_load %arg22[%swap3A_222, %swap3A_223, %swap3A_224] {strides = array<i32>} : memref<128x4x16xf32, #tpu.memory_space<vmem>>, vector<1x1x16xf32>,
        %swap3A_226 = vector.shape_cast %swap3A_225 : vector<1x1x16xf32> to vector<16xf32>
        %swap3A_227 = vector.shape_cast %mul3A_220 : vector<16xf32> to vector<1x1x16xf32>
        tpu.vector_store %arg22[%swap3A_222, %swap3A_223, %swap3A_224], %swap3A_227 {strides = array<i32>} : memref<128x4x16xf32, #tpu.memory_space<vmem>>, vector<1x1x16xf32>,
        %slice3A_228 = vector.extract_strided_slice %select_n3A {offsets = [4], sizes = [1], strides = [1]} : vector<16xf32> to vector<1xf32>
        %squeeze3A_229 = vector.extract %slice3A_228[0] : f32 from vector<1xf32>
        %broadcast_in_dim3A_230 = vector.broadcast %squeeze3A_229 : f32 to vector<16xf32>
        %slice3A_231 = vector.extract_strided_slice %select_n3A {offsets = [5], sizes = [1], strides = [1]} : vector<16xf32> to vector<1xf32>
        %squeeze3A_232 = vector.extract %slice3A_231[0] : f32 from vector<1xf32>
        %broadcast_in_dim3A_233 = vector.broadcast %squeeze3A_232 : f32 to vector<16xf32>
        %select_n3A_234 = arith.select %lt3A_183, %broadcast_in_dim3A_230, %broadcast_in_dim3A_233 : vector<16xi1>, vector<16xf32>
        %get3A_235 = arith.constant 2 : i32
        %get3A_236 = arith.index_cast %scan3A_170 : i32 to index
        %get3A_237 = arith.index_cast %get3A_235 : i32 to index
        %get3A_238 = arith.constant 0 : index
        %get3A_239 = tpu.vector_load %arg15[%get3A_236, %get3A_237, %get3A_238] {strides = array<i32>} : memref<128x4x16xf32, #tpu.memory_space<vmem>>, vector<1x1x16xf32>,
        %get3A_240 = vector.shape_cast %get3A_239 : vector<1x1x16xf32> to vector<16xf32>
        %mul3A_241 = arith.mulf %select_n3A_234, %get3A_240 : vector<16xf32>
        %swap3A_242 = arith.constant 2 : i32
        %swap3A_243 = arith.index_cast %scan3A_170 : i32 to index
        %swap3A_244 = arith.index_cast %swap3A_242 : i32 to index
        %swap3A_245 = arith.constant 0 : index
        %swap3A_246 = tpu.vector_load %arg22[%swap3A_243, %swap3A_244, %swap3A_245] {strides = array<i32>} : memref<128x4x16xf32, #tpu.memory_space<vmem>>, vector<1x1x16xf32>,
        %swap3A_247 = vector.shape_cast %swap3A_246 : vector<1x1x16xf32> to vector<16xf32>
        %swap3A_248 = vector.shape_cast %mul3A_241 : vector<16xf32> to vector<1x1x16xf32>
        tpu.vector_store %arg22[%swap3A_243, %swap3A_244, %swap3A_245], %swap3A_248 {strides = array<i32>} : memref<128x4x16xf32, #tpu.memory_space<vmem>>, vector<1x1x16xf32>,
        %slice3A_249 = vector.extract_strided_slice %select_n3A {offsets = [6], sizes = [1], strides = [1]} : vector<16xf32> to vector<1xf32>
        %squeeze3A_250 = vector.extract %slice3A_249[0] : f32 from vector<1xf32>
        %broadcast_in_dim3A_251 = vector.broadcast %squeeze3A_250 : f32 to vector<16xf32>
        %slice3A_252 = vector.extract_strided_slice %select_n3A {offsets = [7], sizes = [1], strides = [1]} : vector<16xf32> to vector<1xf32>
        %squeeze3A_253 = vector.extract %slice3A_252[0] : f32 from vector<1xf32>
        %broadcast_in_dim3A_254 = vector.broadcast %squeeze3A_253 : f32 to vector<16xf32>
        %select_n3A_255 = arith.select %lt3A_183, %broadcast_in_dim3A_251, %broadcast_in_dim3A_254 : vector<16xi1>, vector<16xf32>
        %get3A_256 = arith.constant 3 : i32
        %get3A_257 = arith.index_cast %scan3A_170 : i32 to index
        %get3A_258 = arith.index_cast %get3A_256 : i32 to index
        %get3A_259 = arith.constant 0 : index
        %get3A_260 = tpu.vector_load %arg15[%get3A_257, %get3A_258, %get3A_259] {strides = array<i32>} : memref<128x4x16xf32, #tpu.memory_space<vmem>>, vector<1x1x16xf32>,
        %get3A_261 = vector.shape_cast %get3A_260 : vector<1x1x16xf32> to vector<16xf32>
        %mul3A_262 = arith.mulf %select_n3A_255, %get3A_261 : vector<16xf32>
        %swap3A_263 = arith.constant 3 : i32
        %swap3A_264 = arith.index_cast %scan3A_170 : i32 to index
        %swap3A_265 = arith.index_cast %swap3A_263 : i32 to index
        %swap3A_266 = arith.constant 0 : index
        %swap3A_267 = tpu.vector_load %arg22[%swap3A_264, %swap3A_265, %swap3A_266] {strides = array<i32>} : memref<128x4x16xf32, #tpu.memory_space<vmem>>, vector<1x1x16xf32>,
        %swap3A_268 = vector.shape_cast %swap3A_267 : vector<1x1x16xf32> to vector<16xf32>
        %swap3A_269 = vector.shape_cast %mul3A_262 : vector<16xf32> to vector<1x1x16xf32>
        tpu.vector_store %arg22[%swap3A_264, %swap3A_265, %swap3A_266], %swap3A_269 {strides = array<i32>} : memref<128x4x16xf32, #tpu.memory_space<vmem>>, vector<1x1x16xf32>,
      }
      %scan3A_118 = arith.constant 128 : i32
      "tpu.region"() ({
        %run_scoped3A = tpu.sem_alloc : memref<!tpu.dma_semaphore, #tpu.memory_space<semaphore_mem>>
        %dma_start3A_170 = arith.constant 0 : i32
        %dma_start3A_171 = arith.constant 0 : i32
        %dma_start3A_172 = arith.constant 0 : i32
        %dma_start3A_173 = tpu.memref_slice %arg23[%dma_start3A_170, %dma_start3A_171, %dma_start3A_172] : memref<10240x4x16xf32, #tpu.memory_space<vmem_shared>> -> memref<10240x4x16xf32, #tpu.memory_space<vmem_shared>>
        tpu.enqueue_indirect_dma source(%arg22 : memref<128x4x16xf32, #tpu.memory_space<vmem>>) target(%dma_start3A_173 : memref<10240x4x16xf32, #tpu.memory_space<vmem_shared>>) offsets(%arg12 : memref<128xi32, #tpu.memory_space<vmem>>) semaphore(%run_scoped3A : memref<!tpu.dma_semaphore, #tpu.memory_space<semaphore_mem>>) {add = true}
        %dma_wait3A_174 = arith.constant 0 : i32
        %dma_wait3A_175 = arith.constant 0 : i32
        %dma_wait3A_176 = arith.constant 0 : i32
        %dma_wait3A_177 = tpu.memref_slice %arg23[%dma_wait3A_174, %dma_wait3A_175, %dma_wait3A_176] : memref<10240x4x16xf32, #tpu.memory_space<vmem_shared>> -> memref<10240x4x16xf32, #tpu.memory_space<vmem_shared>>
        tpu.wait_indirect_dma semaphore(%run_scoped3A : memref<!tpu.dma_semaphore, #tpu.memory_space<semaphore_mem>>) src(%arg22 : memref<128x4x16xf32, #tpu.memory_space<vmem>>) dst(%dma_wait3A_177 : memref<10240x4x16xf32, #tpu.memory_space<vmem_shared>>)
        tpu.yield
      }) : () -> ()
      "tpu.region"() ({
        %run_scoped3A = tpu.sem_alloc : memref<!tpu.dma_semaphore, #tpu.memory_space<semaphore_mem>>
        %dma_start3A_170 = arith.constant 0 : i32
        %dma_start3A_171 = arith.constant 0 : i32
        %dma_start3A_172 = tpu.memref_slice %arg24[%dma_start3A_170, %dma_start3A_171] : memref<10240x16xf32, #tpu.memory_space<vmem_shared>> -> memref<10240x16xf32, #tpu.memory_space<vmem_shared>>
        tpu.enqueue_indirect_dma source(%arg21 : memref<128x16xf32, #tpu.memory_space<vmem>>) target(%dma_start3A_172 : memref<10240x16xf32, #tpu.memory_space<vmem_shared>>) offsets(%arg12 : memref<128xi32, #tpu.memory_space<vmem>>) semaphore(%run_scoped3A : memref<!tpu.dma_semaphore, #tpu.memory_space<semaphore_mem>>) {add = true}
        %dma_wait3A_173 = arith.constant 0 : i32
        %dma_wait3A_174 = arith.constant 0 : i32
        %dma_wait3A_175 = tpu.memref_slice %arg24[%dma_wait3A_173, %dma_wait3A_174] : memref<10240x16xf32, #tpu.memory_space<vmem_shared>> -> memref<10240x16xf32, #tpu.memory_space<vmem_shared>>
        tpu.wait_indirect_dma semaphore(%run_scoped3A : memref<!tpu.dma_semaphore, #tpu.memory_space<semaphore_mem>>) src(%arg21 : memref<128x16xf32, #tpu.memory_space<vmem>>) dst(%dma_wait3A_175 : memref<10240x16xf32, #tpu.memory_space<vmem_shared>>)
        tpu.yield
      }) : () -> ()
      %add3A_119 = arith.constant 2 : i32
      %add3A_120 = arith.addi %mul3A_67, %add3A_119 : i32
      %mul3A_121 = arith.constant 79 : i32
      %mul3A_122 = arith.muli %add3A, %mul3A_121 : i32
      %add3A_123 = arith.addi %mul3A_122, %add3A_120 : i32
      %mul3A_124 = arith.constant 128 : i32
      %mul3A_125 = arith.muli %add3A_123, %mul3A_124 : i32
      %dma_start3A_126 = tpu.memref_slice %arg2[%mul3A_125] : memref<323584xi32, #tpu.memory_space<hbm>> -> memref<128xi32, #tpu.memory_space<hbm>>
      %dma_start3A_127 = tpu.memref_slice %arg2[%mul3A_125] : memref<323584xi32, #tpu.memory_space<hbm>> -> memref<128xi32, #tpu.memory_space<hbm>>
      tpu.enqueue_dma source(%dma_start3A_127 : memref<128xi32, #tpu.memory_space<hbm>>) target(%arg11 : memref<128xi32, #tpu.memory_space<vmem>>) target_semaphore(%arg25 : memref<!tpu.dma_semaphore, #tpu.memory_space<semaphore_mem>>)
      %dma_start3A_128 = tpu.memref_slice %arg3[%mul3A_125] : memref<323584xi32, #tpu.memory_space<hbm>> -> memref<128xi32, #tpu.memory_space<hbm>>
      %dma_start3A_129 = tpu.memref_slice %arg3[%mul3A_125] : memref<323584xi32, #tpu.memory_space<hbm>> -> memref<128xi32, #tpu.memory_space<hbm>>
      tpu.enqueue_dma source(%dma_start3A_129 : memref<128xi32, #tpu.memory_space<hbm>>) target(%arg12 : memref<128xi32, #tpu.memory_space<vmem>>) target_semaphore(%arg25 : memref<!tpu.dma_semaphore, #tpu.memory_space<semaphore_mem>>)
      %dma_wait3A_130 = tpu.memref_slice %arg2[%mul3A_125] : memref<323584xi32, #tpu.memory_space<hbm>> -> memref<128xi32, #tpu.memory_space<hbm>>
      %dma_wait3A_131 = tpu.memref_slice %arg2[%mul3A_125] : memref<323584xi32, #tpu.memory_space<hbm>> -> memref<128xi32, #tpu.memory_space<hbm>>
      tpu.wait_dma2 semaphore(%arg25 : memref<!tpu.dma_semaphore, #tpu.memory_space<semaphore_mem>>) src(%dma_wait3A_131 : memref<128xi32, #tpu.memory_space<hbm>>) dst(%arg11 : memref<128xi32, #tpu.memory_space<vmem>>)
      %dma_wait3A_132 = tpu.memref_slice %arg3[%mul3A_125] : memref<323584xi32, #tpu.memory_space<hbm>> -> memref<128xi32, #tpu.memory_space<hbm>>
      %dma_wait3A_133 = tpu.memref_slice %arg3[%mul3A_125] : memref<323584xi32, #tpu.memory_space<hbm>> -> memref<128xi32, #tpu.memory_space<hbm>>
      tpu.wait_dma2 semaphore(%arg25 : memref<!tpu.dma_semaphore, #tpu.memory_space<semaphore_mem>>) src(%dma_wait3A_133 : memref<128xi32, #tpu.memory_space<hbm>>) dst(%arg12 : memref<128xi32, #tpu.memory_space<vmem>>)
      %dma_start3A_134 = arith.constant 0 : i32
      %dma_start3A_135 = arith.constant 0 : i32
      %dma_start3A_136 = tpu.memref_slice %arg4[%dma_start3A_134, %dma_start3A_135] : memref<10240x16xf32, #tpu.memory_space<hbm>> -> memref<10240x16xf32, #tpu.memory_space<hbm>>
      tpu.enqueue_indirect_dma source(%dma_start3A_136 : memref<10240x16xf32, #tpu.memory_space<hbm>>) target(%arg13 : memref<128x16xf32, #tpu.memory_space<vmem>>) offsets(%arg11 : memref<128xi32, #tpu.memory_space<vmem>>) semaphore(%arg25 : memref<!tpu.dma_semaphore, #tpu.memory_space<semaphore_mem>>)
      %dma_start3A_137 = arith.constant 0 : i32
      %dma_start3A_138 = arith.constant 0 : i32
      %dma_start3A_139 = tpu.memref_slice %arg5[%dma_start3A_137, %dma_start3A_138] : memref<10240x16xf32, #tpu.memory_space<hbm>> -> memref<10240x16xf32, #tpu.memory_space<hbm>>
      tpu.enqueue_indirect_dma source(%dma_start3A_139 : memref<10240x16xf32, #tpu.memory_space<hbm>>) target(%arg14 : memref<128x16xf32, #tpu.memory_space<vmem>>) offsets(%arg12 : memref<128xi32, #tpu.memory_space<vmem>>) semaphore(%arg25 : memref<!tpu.dma_semaphore, #tpu.memory_space<semaphore_mem>>)
      %dma_start3A_140 = arith.constant 0 : i32
      %dma_start3A_141 = arith.constant 0 : i32
      %dma_start3A_142 = arith.constant 0 : i32
      %dma_start3A_143 = tpu.memref_slice %arg6[%dma_start3A_140, %dma_start3A_141, %dma_start3A_142] : memref<10240x4x16xf32, #tpu.memory_space<hbm>> -> memref<10240x4x16xf32, #tpu.memory_space<hbm>>
      tpu.enqueue_indirect_dma source(%dma_start3A_143 : memref<10240x4x16xf32, #tpu.memory_space<hbm>>) target(%arg15 : memref<128x4x16xf32, #tpu.memory_space<vmem>>) offsets(%arg11 : memref<128xi32, #tpu.memory_space<vmem>>) semaphore(%arg25 : memref<!tpu.dma_semaphore, #tpu.memory_space<semaphore_mem>>)
      %dma_wait3A_144 = arith.constant 0 : i32
      %dma_wait3A_145 = arith.constant 0 : i32
      %dma_wait3A_146 = tpu.memref_slice %arg4[%dma_wait3A_144, %dma_wait3A_145] : memref<10240x16xf32, #tpu.memory_space<hbm>> -> memref<128x16xf32, #tpu.memory_space<hbm>>
      %dma_wait3A_147 = arith.constant 0 : i32
      %dma_wait3A_148 = arith.constant 0 : i32
      %dma_wait3A_149 = tpu.memref_slice %arg4[%dma_wait3A_147, %dma_wait3A_148] : memref<10240x16xf32, #tpu.memory_space<hbm>> -> memref<128x16xf32, #tpu.memory_space<hbm>>
      tpu.wait_dma2 semaphore(%arg26 : memref<!tpu.dma_semaphore, #tpu.memory_space<semaphore_mem>>) src(%dma_wait3A_149 : memref<128x16xf32, #tpu.memory_space<hbm>>) dst(%arg18 : memref<128x16xf32, #tpu.memory_space<vmem>>)
      %dma_wait3A_150 = arith.constant 0 : i32
      %dma_wait3A_151 = arith.constant 0 : i32
      %dma_wait3A_152 = tpu.memref_slice %arg5[%dma_wait3A_150, %dma_wait3A_151] : memref<10240x16xf32, #tpu.memory_space<hbm>> -> memref<128x16xf32, #tpu.memory_space<hbm>>
      %dma_wait3A_153 = arith.constant 0 : i32
      %dma_wait3A_154 = arith.constant 0 : i32
      %dma_wait3A_155 = tpu.memref_slice %arg5[%dma_wait3A_153, %dma_wait3A_154] : memref<10240x16xf32, #tpu.memory_space<hbm>> -> memref<128x16xf32, #tpu.memory_space<hbm>>
      tpu.wait_dma2 semaphore(%arg26 : memref<!tpu.dma_semaphore, #tpu.memory_space<semaphore_mem>>) src(%dma_wait3A_155 : memref<128x16xf32, #tpu.memory_space<hbm>>) dst(%arg19 : memref<128x16xf32, #tpu.memory_space<vmem>>)
      %dma_wait3A_156 = arith.constant 0 : i32
      %dma_wait3A_157 = arith.constant 0 : i32
      %dma_wait3A_158 = arith.constant 0 : i32
      %dma_wait3A_159 = tpu.memref_slice %arg6[%dma_wait3A_156, %dma_wait3A_157, %dma_wait3A_158] : memref<10240x4x16xf32, #tpu.memory_space<hbm>> -> memref<128x4x16xf32, #tpu.memory_space<hbm>>
      %dma_wait3A_160 = arith.constant 0 : i32
      %dma_wait3A_161 = arith.constant 0 : i32
      %dma_wait3A_162 = arith.constant 0 : i32
      %dma_wait3A_163 = tpu.memref_slice %arg6[%dma_wait3A_160, %dma_wait3A_161, %dma_wait3A_162] : memref<10240x4x16xf32, #tpu.memory_space<hbm>> -> memref<128x4x16xf32, #tpu.memory_space<hbm>>
      tpu.wait_dma2 semaphore(%arg26 : memref<!tpu.dma_semaphore, #tpu.memory_space<semaphore_mem>>) src(%dma_wait3A_163 : memref<128x4x16xf32, #tpu.memory_space<hbm>>) dst(%arg20 : memref<128x4x16xf32, #tpu.memory_space<vmem>>)
      %scan3A_164 = arith.constant 0 : i32
      %scan3A_165 = arith.constant 0 : i32
      %scan3A_166 = arith.constant 128 : i32
      %scan3A_167 = arith.addi %scan3A_165, %scan3A_166 : i32
      %scan3A_168 = arith.constant 1 : i32
      scf.for %scan3A_170 = %scan3A_165 to %scan3A_167 step %scan3A_168  : i32 {
        %get3A = arith.index_cast %scan3A_170 : i32 to index
        %get3A_171 = arith.constant 0 : index
        %get3A_172 = tpu.vector_load %arg18[%get3A, %get3A_171] {strides = array<i32>} : memref<128x16xf32, #tpu.memory_space<vmem>>, vector<1x16xf32>,
        %get3A_173 = vector.shape_cast %get3A_172 : vector<1x16xf32> to vector<16xf32>
        %get3A_174 = arith.index_cast %scan3A_170 : i32 to index
        %get3A_175 = arith.constant 0 : index
        %get3A_176 = tpu.vector_load %arg19[%get3A_174, %get3A_175] {strides = array<i32>} : memref<128x16xf32, #tpu.memory_space<vmem>>, vector<1x16xf32>,
        %get3A_177 = vector.shape_cast %get3A_176 : vector<1x16xf32> to vector<16xf32>
        %add3A_178 = arith.addf %get3A_173, %get3A_177 : vector<16xf32>
        %mul3A_179 = arith.constant 2.000000e-01 : f32
        %mul3A_180 = vector.broadcast %mul3A_179 : f32 to vector<16xf32>
        %mul3A_181 = arith.mulf %add3A_178, %mul3A_180 : vector<16xf32>
        %max3A = arith.maximumf %add3A_178, %mul3A_181 : vector<16xf32>
        %exp3A = math.exp %max3A : vector<16xf32>
        %iota3A = tpu.iota {dimensions = array<i32: 0>} : vector<16xi32>
        %lt3A = arith.constant 8 : i32
        %lt3A_182 = vector.broadcast %lt3A : i32 to vector<16xi32>
        %lt3A_183 = arith.cmpi slt, %iota3A, %lt3A_182 : vector<16xi32>
        %jit3A = arith.constant 0.000000e+00 : f32
        %broadcast_in_dim3A = vector.broadcast %jit3A : f32 to vector<16xf32>
        %select_n3A = arith.select %lt3A_183, %exp3A, %broadcast_in_dim3A : vector<16xi1>, vector<16xf32>
        %swap3A = arith.index_cast %scan3A_170 : i32 to index
        %swap3A_184 = arith.constant 0 : index
        %swap3A_185 = tpu.vector_load %arg21[%swap3A, %swap3A_184] {strides = array<i32>} : memref<128x16xf32, #tpu.memory_space<vmem>>, vector<1x16xf32>,
        %swap3A_186 = vector.shape_cast %swap3A_185 : vector<1x16xf32> to vector<16xf32>
        %swap3A_187 = vector.shape_cast %select_n3A : vector<16xf32> to vector<1x16xf32>
        tpu.vector_store %arg21[%swap3A, %swap3A_184], %swap3A_187 {strides = array<i32>} : memref<128x16xf32, #tpu.memory_space<vmem>>, vector<1x16xf32>,
        %slice3A = vector.extract_strided_slice %select_n3A {offsets = [0], sizes = [1], strides = [1]} : vector<16xf32> to vector<1xf32>
        %squeeze3A = vector.extract %slice3A[0] : f32 from vector<1xf32>
        %broadcast_in_dim3A_188 = vector.broadcast %squeeze3A : f32 to vector<16xf32>
        %slice3A_189 = vector.extract_strided_slice %select_n3A {offsets = [1], sizes = [1], strides = [1]} : vector<16xf32> to vector<1xf32>
        %squeeze3A_190 = vector.extract %slice3A_189[0] : f32 from vector<1xf32>
        %broadcast_in_dim3A_191 = vector.broadcast %squeeze3A_190 : f32 to vector<16xf32>
        %select_n3A_192 = arith.select %lt3A_183, %broadcast_in_dim3A_188, %broadcast_in_dim3A_191 : vector<16xi1>, vector<16xf32>
        %get3A_193 = arith.constant 0 : i32
        %get3A_194 = arith.index_cast %scan3A_170 : i32 to index
        %get3A_195 = arith.index_cast %get3A_193 : i32 to index
        %get3A_196 = arith.constant 0 : index
        %get3A_197 = tpu.vector_load %arg20[%get3A_194, %get3A_195, %get3A_196] {strides = array<i32>} : memref<128x4x16xf32, #tpu.memory_space<vmem>>, vector<1x1x16xf32>,
        %get3A_198 = vector.shape_cast %get3A_197 : vector<1x1x16xf32> to vector<16xf32>
        %mul3A_199 = arith.mulf %select_n3A_192, %get3A_198 : vector<16xf32>
        %swap3A_200 = arith.constant 0 : i32
        %swap3A_201 = arith.index_cast %scan3A_170 : i32 to index
        %swap3A_202 = arith.index_cast %swap3A_200 : i32 to index
        %swap3A_203 = arith.constant 0 : index
        %swap3A_204 = tpu.vector_load %arg22[%swap3A_201, %swap3A_202, %swap3A_203] {strides = array<i32>} : memref<128x4x16xf32, #tpu.memory_space<vmem>>, vector<1x1x16xf32>,
        %swap3A_205 = vector.shape_cast %swap3A_204 : vector<1x1x16xf32> to vector<16xf32>
        %swap3A_206 = vector.shape_cast %mul3A_199 : vector<16xf32> to vector<1x1x16xf32>
        tpu.vector_store %arg22[%swap3A_201, %swap3A_202, %swap3A_203], %swap3A_206 {strides = array<i32>} : memref<128x4x16xf32, #tpu.memory_space<vmem>>, vector<1x1x16xf32>,
        %slice3A_207 = vector.extract_strided_slice %select_n3A {offsets = [2], sizes = [1], strides = [1]} : vector<16xf32> to vector<1xf32>
        %squeeze3A_208 = vector.extract %slice3A_207[0] : f32 from vector<1xf32>
        %broadcast_in_dim3A_209 = vector.broadcast %squeeze3A_208 : f32 to vector<16xf32>
        %slice3A_210 = vector.extract_strided_slice %select_n3A {offsets = [3], sizes = [1], strides = [1]} : vector<16xf32> to vector<1xf32>
        %squeeze3A_211 = vector.extract %slice3A_210[0] : f32 from vector<1xf32>
        %broadcast_in_dim3A_212 = vector.broadcast %squeeze3A_211 : f32 to vector<16xf32>
        %select_n3A_213 = arith.select %lt3A_183, %broadcast_in_dim3A_209, %broadcast_in_dim3A_212 : vector<16xi1>, vector<16xf32>
        %get3A_214 = arith.constant 1 : i32
        %get3A_215 = arith.index_cast %scan3A_170 : i32 to index
        %get3A_216 = arith.index_cast %get3A_214 : i32 to index
        %get3A_217 = arith.constant 0 : index
        %get3A_218 = tpu.vector_load %arg20[%get3A_215, %get3A_216, %get3A_217] {strides = array<i32>} : memref<128x4x16xf32, #tpu.memory_space<vmem>>, vector<1x1x16xf32>,
        %get3A_219 = vector.shape_cast %get3A_218 : vector<1x1x16xf32> to vector<16xf32>
        %mul3A_220 = arith.mulf %select_n3A_213, %get3A_219 : vector<16xf32>
        %swap3A_221 = arith.constant 1 : i32
        %swap3A_222 = arith.index_cast %scan3A_170 : i32 to index
        %swap3A_223 = arith.index_cast %swap3A_221 : i32 to index
        %swap3A_224 = arith.constant 0 : index
        %swap3A_225 = tpu.vector_load %arg22[%swap3A_222, %swap3A_223, %swap3A_224] {strides = array<i32>} : memref<128x4x16xf32, #tpu.memory_space<vmem>>, vector<1x1x16xf32>,
        %swap3A_226 = vector.shape_cast %swap3A_225 : vector<1x1x16xf32> to vector<16xf32>
        %swap3A_227 = vector.shape_cast %mul3A_220 : vector<16xf32> to vector<1x1x16xf32>
        tpu.vector_store %arg22[%swap3A_222, %swap3A_223, %swap3A_224], %swap3A_227 {strides = array<i32>} : memref<128x4x16xf32, #tpu.memory_space<vmem>>, vector<1x1x16xf32>,
        %slice3A_228 = vector.extract_strided_slice %select_n3A {offsets = [4], sizes = [1], strides = [1]} : vector<16xf32> to vector<1xf32>
        %squeeze3A_229 = vector.extract %slice3A_228[0] : f32 from vector<1xf32>
        %broadcast_in_dim3A_230 = vector.broadcast %squeeze3A_229 : f32 to vector<16xf32>
        %slice3A_231 = vector.extract_strided_slice %select_n3A {offsets = [5], sizes = [1], strides = [1]} : vector<16xf32> to vector<1xf32>
        %squeeze3A_232 = vector.extract %slice3A_231[0] : f32 from vector<1xf32>
        %broadcast_in_dim3A_233 = vector.broadcast %squeeze3A_232 : f32 to vector<16xf32>
        %select_n3A_234 = arith.select %lt3A_183, %broadcast_in_dim3A_230, %broadcast_in_dim3A_233 : vector<16xi1>, vector<16xf32>
        %get3A_235 = arith.constant 2 : i32
        %get3A_236 = arith.index_cast %scan3A_170 : i32 to index
        %get3A_237 = arith.index_cast %get3A_235 : i32 to index
        %get3A_238 = arith.constant 0 : index
        %get3A_239 = tpu.vector_load %arg20[%get3A_236, %get3A_237, %get3A_238] {strides = array<i32>} : memref<128x4x16xf32, #tpu.memory_space<vmem>>, vector<1x1x16xf32>,
        %get3A_240 = vector.shape_cast %get3A_239 : vector<1x1x16xf32> to vector<16xf32>
        %mul3A_241 = arith.mulf %select_n3A_234, %get3A_240 : vector<16xf32>
        %swap3A_242 = arith.constant 2 : i32
        %swap3A_243 = arith.index_cast %scan3A_170 : i32 to index
        %swap3A_244 = arith.index_cast %swap3A_242 : i32 to index
        %swap3A_245 = arith.constant 0 : index
        %swap3A_246 = tpu.vector_load %arg22[%swap3A_243, %swap3A_244, %swap3A_245] {strides = array<i32>} : memref<128x4x16xf32, #tpu.memory_space<vmem>>, vector<1x1x16xf32>,
        %swap3A_247 = vector.shape_cast %swap3A_246 : vector<1x1x16xf32> to vector<16xf32>
        %swap3A_248 = vector.shape_cast %mul3A_241 : vector<16xf32> to vector<1x1x16xf32>
        tpu.vector_store %arg22[%swap3A_243, %swap3A_244, %swap3A_245], %swap3A_248 {strides = array<i32>} : memref<128x4x16xf32, #tpu.memory_space<vmem>>, vector<1x1x16xf32>,
        %slice3A_249 = vector.extract_strided_slice %select_n3A {offsets = [6], sizes = [1], strides = [1]} : vector<16xf32> to vector<1xf32>
        %squeeze3A_250 = vector.extract %slice3A_249[0] : f32 from vector<1xf32>
        %broadcast_in_dim3A_251 = vector.broadcast %squeeze3A_250 : f32 to vector<16xf32>
        %slice3A_252 = vector.extract_strided_slice %select_n3A {offsets = [7], sizes = [1], strides = [1]} : vector<16xf32> to vector<1xf32>
        %squeeze3A_253 = vector.extract %slice3A_252[0] : f32 from vector<1xf32>
        %broadcast_in_dim3A_254 = vector.broadcast %squeeze3A_253 : f32 to vector<16xf32>
        %select_n3A_255 = arith.select %lt3A_183, %broadcast_in_dim3A_251, %broadcast_in_dim3A_254 : vector<16xi1>, vector<16xf32>
        %get3A_256 = arith.constant 3 : i32
        %get3A_257 = arith.index_cast %scan3A_170 : i32 to index
        %get3A_258 = arith.index_cast %get3A_256 : i32 to index
        %get3A_259 = arith.constant 0 : index
        %get3A_260 = tpu.vector_load %arg20[%get3A_257, %get3A_258, %get3A_259] {strides = array<i32>} : memref<128x4x16xf32, #tpu.memory_space<vmem>>, vector<1x1x16xf32>,
        %get3A_261 = vector.shape_cast %get3A_260 : vector<1x1x16xf32> to vector<16xf32>
        %mul3A_262 = arith.mulf %select_n3A_255, %get3A_261 : vector<16xf32>
        %swap3A_263 = arith.constant 3 : i32
        %swap3A_264 = arith.index_cast %scan3A_170 : i32 to index
        %swap3A_265 = arith.index_cast %swap3A_263 : i32 to index
        %swap3A_266 = arith.constant 0 : index
        %swap3A_267 = tpu.vector_load %arg22[%swap3A_264, %swap3A_265, %swap3A_266] {strides = array<i32>} : memref<128x4x16xf32, #tpu.memory_space<vmem>>, vector<1x1x16xf32>,
        %swap3A_268 = vector.shape_cast %swap3A_267 : vector<1x1x16xf32> to vector<16xf32>
        %swap3A_269 = vector.shape_cast %mul3A_262 : vector<16xf32> to vector<1x1x16xf32>
        tpu.vector_store %arg22[%swap3A_264, %swap3A_265, %swap3A_266], %swap3A_269 {strides = array<i32>} : memref<128x4x16xf32, #tpu.memory_space<vmem>>, vector<1x1x16xf32>,
      }
      %scan3A_169 = arith.constant 128 : i32
      "tpu.region"() ({
        %run_scoped3A = tpu.sem_alloc : memref<!tpu.dma_semaphore, #tpu.memory_space<semaphore_mem>>
        %dma_start3A_170 = arith.constant 0 : i32
        %dma_start3A_171 = arith.constant 0 : i32
        %dma_start3A_172 = arith.constant 0 : i32
        %dma_start3A_173 = tpu.memref_slice %arg23[%dma_start3A_170, %dma_start3A_171, %dma_start3A_172] : memref<10240x4x16xf32, #tpu.memory_space<vmem_shared>> -> memref<10240x4x16xf32, #tpu.memory_space<vmem_shared>>
        tpu.enqueue_indirect_dma source(%arg22 : memref<128x4x16xf32, #tpu.memory_space<vmem>>) target(%dma_start3A_173 : memref<10240x4x16xf32, #tpu.memory_space<vmem_shared>>) offsets(%arg17 : memref<128xi32, #tpu.memory_space<vmem>>) semaphore(%run_scoped3A : memref<!tpu.dma_semaphore, #tpu.memory_space<semaphore_mem>>) {add = true}
        %dma_wait3A_174 = arith.constant 0 : i32
        %dma_wait3A_175 = arith.constant 0 : i32
        %dma_wait3A_176 = arith.constant 0 : i32
        %dma_wait3A_177 = tpu.memref_slice %arg23[%dma_wait3A_174, %dma_wait3A_175, %dma_wait3A_176] : memref<10240x4x16xf32, #tpu.memory_space<vmem_shared>> -> memref<10240x4x16xf32, #tpu.memory_space<vmem_shared>>
        tpu.wait_indirect_dma semaphore(%run_scoped3A : memref<!tpu.dma_semaphore, #tpu.memory_space<semaphore_mem>>) src(%arg22 : memref<128x4x16xf32, #tpu.memory_space<vmem>>) dst(%dma_wait3A_177 : memref<10240x4x16xf32, #tpu.memory_space<vmem_shared>>)
        tpu.yield
      }) : () -> ()
      "tpu.region"() ({
        %run_scoped3A = tpu.sem_alloc : memref<!tpu.dma_semaphore, #tpu.memory_space<semaphore_mem>>
        %dma_start3A_170 = arith.constant 0 : i32
        %dma_start3A_171 = arith.constant 0 : i32
        %dma_start3A_172 = tpu.memref_slice %arg24[%dma_start3A_170, %dma_start3A_171] : memref<10240x16xf32, #tpu.memory_space<vmem_shared>> -> memref<10240x16xf32, #tpu.memory_space<vmem_shared>>
        tpu.enqueue_indirect_dma source(%arg21 : memref<128x16xf32, #tpu.memory_space<vmem>>) target(%dma_start3A_172 : memref<10240x16xf32, #tpu.memory_space<vmem_shared>>) offsets(%arg17 : memref<128xi32, #tpu.memory_space<vmem>>) semaphore(%run_scoped3A : memref<!tpu.dma_semaphore, #tpu.memory_space<semaphore_mem>>) {add = true}
        %dma_wait3A_173 = arith.constant 0 : i32
        %dma_wait3A_174 = arith.constant 0 : i32
        %dma_wait3A_175 = tpu.memref_slice %arg24[%dma_wait3A_173, %dma_wait3A_174] : memref<10240x16xf32, #tpu.memory_space<vmem_shared>> -> memref<10240x16xf32, #tpu.memory_space<vmem_shared>>
        tpu.wait_indirect_dma semaphore(%run_scoped3A : memref<!tpu.dma_semaphore, #tpu.memory_space<semaphore_mem>>) src(%arg21 : memref<128x16xf32, #tpu.memory_space<vmem>>) dst(%dma_wait3A_175 : memref<10240x16xf32, #tpu.memory_space<vmem_shared>>)
        tpu.yield
      }) : () -> ()
    }
    %scan3A_29 = arith.constant 39 : i32
    %dma_wait3A_30 = arith.constant 0 : i32
    %dma_wait3A_31 = arith.constant 0 : i32
    %dma_wait3A_32 = tpu.memref_slice %arg4[%dma_wait3A_30, %dma_wait3A_31] : memref<10240x16xf32, #tpu.memory_space<hbm>> -> memref<128x16xf32, #tpu.memory_space<hbm>>
    %dma_wait3A_33 = arith.constant 0 : i32
    %dma_wait3A_34 = arith.constant 0 : i32
    %dma_wait3A_35 = tpu.memref_slice %arg4[%dma_wait3A_33, %dma_wait3A_34] : memref<10240x16xf32, #tpu.memory_space<hbm>> -> memref<128x16xf32, #tpu.memory_space<hbm>>
    tpu.wait_dma2 semaphore(%arg25 : memref<!tpu.dma_semaphore, #tpu.memory_space<semaphore_mem>>) src(%dma_wait3A_35 : memref<128x16xf32, #tpu.memory_space<hbm>>) dst(%arg13 : memref<128x16xf32, #tpu.memory_space<vmem>>)
    %dma_wait3A_36 = arith.constant 0 : i32
    %dma_wait3A_37 = arith.constant 0 : i32
    %dma_wait3A_38 = tpu.memref_slice %arg5[%dma_wait3A_36, %dma_wait3A_37] : memref<10240x16xf32, #tpu.memory_space<hbm>> -> memref<128x16xf32, #tpu.memory_space<hbm>>
    %dma_wait3A_39 = arith.constant 0 : i32
    %dma_wait3A_40 = arith.constant 0 : i32
    %dma_wait3A_41 = tpu.memref_slice %arg5[%dma_wait3A_39, %dma_wait3A_40] : memref<10240x16xf32, #tpu.memory_space<hbm>> -> memref<128x16xf32, #tpu.memory_space<hbm>>
    tpu.wait_dma2 semaphore(%arg25 : memref<!tpu.dma_semaphore, #tpu.memory_space<semaphore_mem>>) src(%dma_wait3A_41 : memref<128x16xf32, #tpu.memory_space<hbm>>) dst(%arg14 : memref<128x16xf32, #tpu.memory_space<vmem>>)
    %dma_wait3A_42 = arith.constant 0 : i32
    %dma_wait3A_43 = arith.constant 0 : i32
    %dma_wait3A_44 = arith.constant 0 : i32
    %dma_wait3A_45 = tpu.memref_slice %arg6[%dma_wait3A_42, %dma_wait3A_43, %dma_wait3A_44] : memref<10240x4x16xf32, #tpu.memory_space<hbm>> -> memref<128x4x16xf32, #tpu.memory_space<hbm>>
    %dma_wait3A_46 = arith.constant 0 : i32
    %dma_wait3A_47 = arith.constant 0 : i32
    %dma_wait3A_48 = arith.constant 0 : i32
    %dma_wait3A_49 = tpu.memref_slice %arg6[%dma_wait3A_46, %dma_wait3A_47, %dma_wait3A_48] : memref<10240x4x16xf32, #tpu.memory_space<hbm>> -> memref<128x4x16xf32, #tpu.memory_space<hbm>>
    tpu.wait_dma2 semaphore(%arg25 : memref<!tpu.dma_semaphore, #tpu.memory_space<semaphore_mem>>) src(%dma_wait3A_49 : memref<128x4x16xf32, #tpu.memory_space<hbm>>) dst(%arg15 : memref<128x4x16xf32, #tpu.memory_space<vmem>>)
    %scan3A_50 = arith.constant 0 : i32
    %scan3A_51 = arith.constant 0 : i32
    %scan3A_52 = arith.constant 128 : i32
    %scan3A_53 = arith.addi %scan3A_51, %scan3A_52 : i32
    %scan3A_54 = arith.constant 1 : i32
    scf.for %scan3A_65 = %scan3A_51 to %scan3A_53 step %scan3A_54  : i32 {
      %get3A = arith.index_cast %scan3A_65 : i32 to index
      %get3A_66 = arith.constant 0 : index
      %get3A_67 = tpu.vector_load %arg13[%get3A, %get3A_66] {strides = array<i32>} : memref<128x16xf32, #tpu.memory_space<vmem>>, vector<1x16xf32>,
      %get3A_68 = vector.shape_cast %get3A_67 : vector<1x16xf32> to vector<16xf32>
      %get3A_69 = arith.index_cast %scan3A_65 : i32 to index
      %get3A_70 = arith.constant 0 : index
      %get3A_71 = tpu.vector_load %arg14[%get3A_69, %get3A_70] {strides = array<i32>} : memref<128x16xf32, #tpu.memory_space<vmem>>, vector<1x16xf32>,
      %get3A_72 = vector.shape_cast %get3A_71 : vector<1x16xf32> to vector<16xf32>
      %add3A_73 = arith.addf %get3A_68, %get3A_72 : vector<16xf32>
      %mul3A_74 = arith.constant 2.000000e-01 : f32
      %mul3A_75 = vector.broadcast %mul3A_74 : f32 to vector<16xf32>
      %mul3A_76 = arith.mulf %add3A_73, %mul3A_75 : vector<16xf32>
      %max3A = arith.maximumf %add3A_73, %mul3A_76 : vector<16xf32>
      %exp3A = math.exp %max3A : vector<16xf32>
      %iota3A = tpu.iota {dimensions = array<i32: 0>} : vector<16xi32>
      %lt3A = arith.constant 8 : i32
      %lt3A_77 = vector.broadcast %lt3A : i32 to vector<16xi32>
      %lt3A_78 = arith.cmpi slt, %iota3A, %lt3A_77 : vector<16xi32>
      %jit3A = arith.constant 0.000000e+00 : f32
      %broadcast_in_dim3A = vector.broadcast %jit3A : f32 to vector<16xf32>
      %select_n3A = arith.select %lt3A_78, %exp3A, %broadcast_in_dim3A : vector<16xi1>, vector<16xf32>
      %swap3A = arith.index_cast %scan3A_65 : i32 to index
      %swap3A_79 = arith.constant 0 : index
      %swap3A_80 = tpu.vector_load %arg21[%swap3A, %swap3A_79] {strides = array<i32>} : memref<128x16xf32, #tpu.memory_space<vmem>>, vector<1x16xf32>,
      %swap3A_81 = vector.shape_cast %swap3A_80 : vector<1x16xf32> to vector<16xf32>
      %swap3A_82 = vector.shape_cast %select_n3A : vector<16xf32> to vector<1x16xf32>
      tpu.vector_store %arg21[%swap3A, %swap3A_79], %swap3A_82 {strides = array<i32>} : memref<128x16xf32, #tpu.memory_space<vmem>>, vector<1x16xf32>,
      %slice3A = vector.extract_strided_slice %select_n3A {offsets = [0], sizes = [1], strides = [1]} : vector<16xf32> to vector<1xf32>
      %squeeze3A = vector.extract %slice3A[0] : f32 from vector<1xf32>
      %broadcast_in_dim3A_83 = vector.broadcast %squeeze3A : f32 to vector<16xf32>
      %slice3A_84 = vector.extract_strided_slice %select_n3A {offsets = [1], sizes = [1], strides = [1]} : vector<16xf32> to vector<1xf32>
      %squeeze3A_85 = vector.extract %slice3A_84[0] : f32 from vector<1xf32>
      %broadcast_in_dim3A_86 = vector.broadcast %squeeze3A_85 : f32 to vector<16xf32>
      %select_n3A_87 = arith.select %lt3A_78, %broadcast_in_dim3A_83, %broadcast_in_dim3A_86 : vector<16xi1>, vector<16xf32>
      %get3A_88 = arith.constant 0 : i32
      %get3A_89 = arith.index_cast %scan3A_65 : i32 to index
      %get3A_90 = arith.index_cast %get3A_88 : i32 to index
      %get3A_91 = arith.constant 0 : index
      %get3A_92 = tpu.vector_load %arg15[%get3A_89, %get3A_90, %get3A_91] {strides = array<i32>} : memref<128x4x16xf32, #tpu.memory_space<vmem>>, vector<1x1x16xf32>,
      %get3A_93 = vector.shape_cast %get3A_92 : vector<1x1x16xf32> to vector<16xf32>
      %mul3A_94 = arith.mulf %select_n3A_87, %get3A_93 : vector<16xf32>
      %swap3A_95 = arith.constant 0 : i32
      %swap3A_96 = arith.index_cast %scan3A_65 : i32 to index
      %swap3A_97 = arith.index_cast %swap3A_95 : i32 to index
      %swap3A_98 = arith.constant 0 : index
      %swap3A_99 = tpu.vector_load %arg22[%swap3A_96, %swap3A_97, %swap3A_98] {strides = array<i32>} : memref<128x4x16xf32, #tpu.memory_space<vmem>>, vector<1x1x16xf32>,
      %swap3A_100 = vector.shape_cast %swap3A_99 : vector<1x1x16xf32> to vector<16xf32>
      %swap3A_101 = vector.shape_cast %mul3A_94 : vector<16xf32> to vector<1x1x16xf32>
      tpu.vector_store %arg22[%swap3A_96, %swap3A_97, %swap3A_98], %swap3A_101 {strides = array<i32>} : memref<128x4x16xf32, #tpu.memory_space<vmem>>, vector<1x1x16xf32>,
      %slice3A_102 = vector.extract_strided_slice %select_n3A {offsets = [2], sizes = [1], strides = [1]} : vector<16xf32> to vector<1xf32>
      %squeeze3A_103 = vector.extract %slice3A_102[0] : f32 from vector<1xf32>
      %broadcast_in_dim3A_104 = vector.broadcast %squeeze3A_103 : f32 to vector<16xf32>
      %slice3A_105 = vector.extract_strided_slice %select_n3A {offsets = [3], sizes = [1], strides = [1]} : vector<16xf32> to vector<1xf32>
      %squeeze3A_106 = vector.extract %slice3A_105[0] : f32 from vector<1xf32>
      %broadcast_in_dim3A_107 = vector.broadcast %squeeze3A_106 : f32 to vector<16xf32>
      %select_n3A_108 = arith.select %lt3A_78, %broadcast_in_dim3A_104, %broadcast_in_dim3A_107 : vector<16xi1>, vector<16xf32>
      %get3A_109 = arith.constant 1 : i32
      %get3A_110 = arith.index_cast %scan3A_65 : i32 to index
      %get3A_111 = arith.index_cast %get3A_109 : i32 to index
      %get3A_112 = arith.constant 0 : index
      %get3A_113 = tpu.vector_load %arg15[%get3A_110, %get3A_111, %get3A_112] {strides = array<i32>} : memref<128x4x16xf32, #tpu.memory_space<vmem>>, vector<1x1x16xf32>,
      %get3A_114 = vector.shape_cast %get3A_113 : vector<1x1x16xf32> to vector<16xf32>
      %mul3A_115 = arith.mulf %select_n3A_108, %get3A_114 : vector<16xf32>
      %swap3A_116 = arith.constant 1 : i32
      %swap3A_117 = arith.index_cast %scan3A_65 : i32 to index
      %swap3A_118 = arith.index_cast %swap3A_116 : i32 to index
      %swap3A_119 = arith.constant 0 : index
      %swap3A_120 = tpu.vector_load %arg22[%swap3A_117, %swap3A_118, %swap3A_119] {strides = array<i32>} : memref<128x4x16xf32, #tpu.memory_space<vmem>>, vector<1x1x16xf32>,
      %swap3A_121 = vector.shape_cast %swap3A_120 : vector<1x1x16xf32> to vector<16xf32>
      %swap3A_122 = vector.shape_cast %mul3A_115 : vector<16xf32> to vector<1x1x16xf32>
      tpu.vector_store %arg22[%swap3A_117, %swap3A_118, %swap3A_119], %swap3A_122 {strides = array<i32>} : memref<128x4x16xf32, #tpu.memory_space<vmem>>, vector<1x1x16xf32>,
      %slice3A_123 = vector.extract_strided_slice %select_n3A {offsets = [4], sizes = [1], strides = [1]} : vector<16xf32> to vector<1xf32>
      %squeeze3A_124 = vector.extract %slice3A_123[0] : f32 from vector<1xf32>
      %broadcast_in_dim3A_125 = vector.broadcast %squeeze3A_124 : f32 to vector<16xf32>
      %slice3A_126 = vector.extract_strided_slice %select_n3A {offsets = [5], sizes = [1], strides = [1]} : vector<16xf32> to vector<1xf32>
      %squeeze3A_127 = vector.extract %slice3A_126[0] : f32 from vector<1xf32>
      %broadcast_in_dim3A_128 = vector.broadcast %squeeze3A_127 : f32 to vector<16xf32>
      %select_n3A_129 = arith.select %lt3A_78, %broadcast_in_dim3A_125, %broadcast_in_dim3A_128 : vector<16xi1>, vector<16xf32>
      %get3A_130 = arith.constant 2 : i32
      %get3A_131 = arith.index_cast %scan3A_65 : i32 to index
      %get3A_132 = arith.index_cast %get3A_130 : i32 to index
      %get3A_133 = arith.constant 0 : index
      %get3A_134 = tpu.vector_load %arg15[%get3A_131, %get3A_132, %get3A_133] {strides = array<i32>} : memref<128x4x16xf32, #tpu.memory_space<vmem>>, vector<1x1x16xf32>,
      %get3A_135 = vector.shape_cast %get3A_134 : vector<1x1x16xf32> to vector<16xf32>
      %mul3A_136 = arith.mulf %select_n3A_129, %get3A_135 : vector<16xf32>
      %swap3A_137 = arith.constant 2 : i32
      %swap3A_138 = arith.index_cast %scan3A_65 : i32 to index
      %swap3A_139 = arith.index_cast %swap3A_137 : i32 to index
      %swap3A_140 = arith.constant 0 : index
      %swap3A_141 = tpu.vector_load %arg22[%swap3A_138, %swap3A_139, %swap3A_140] {strides = array<i32>} : memref<128x4x16xf32, #tpu.memory_space<vmem>>, vector<1x1x16xf32>,
      %swap3A_142 = vector.shape_cast %swap3A_141 : vector<1x1x16xf32> to vector<16xf32>
      %swap3A_143 = vector.shape_cast %mul3A_136 : vector<16xf32> to vector<1x1x16xf32>
      tpu.vector_store %arg22[%swap3A_138, %swap3A_139, %swap3A_140], %swap3A_143 {strides = array<i32>} : memref<128x4x16xf32, #tpu.memory_space<vmem>>, vector<1x1x16xf32>,
      %slice3A_144 = vector.extract_strided_slice %select_n3A {offsets = [6], sizes = [1], strides = [1]} : vector<16xf32> to vector<1xf32>
      %squeeze3A_145 = vector.extract %slice3A_144[0] : f32 from vector<1xf32>
      %broadcast_in_dim3A_146 = vector.broadcast %squeeze3A_145 : f32 to vector<16xf32>
      %slice3A_147 = vector.extract_strided_slice %select_n3A {offsets = [7], sizes = [1], strides = [1]} : vector<16xf32> to vector<1xf32>
      %squeeze3A_148 = vector.extract %slice3A_147[0] : f32 from vector<1xf32>
      %broadcast_in_dim3A_149 = vector.broadcast %squeeze3A_148 : f32 to vector<16xf32>
      %select_n3A_150 = arith.select %lt3A_78, %broadcast_in_dim3A_146, %broadcast_in_dim3A_149 : vector<16xi1>, vector<16xf32>
      %get3A_151 = arith.constant 3 : i32
      %get3A_152 = arith.index_cast %scan3A_65 : i32 to index
      %get3A_153 = arith.index_cast %get3A_151 : i32 to index
      %get3A_154 = arith.constant 0 : index
      %get3A_155 = tpu.vector_load %arg15[%get3A_152, %get3A_153, %get3A_154] {strides = array<i32>} : memref<128x4x16xf32, #tpu.memory_space<vmem>>, vector<1x1x16xf32>,
      %get3A_156 = vector.shape_cast %get3A_155 : vector<1x1x16xf32> to vector<16xf32>
      %mul3A_157 = arith.mulf %select_n3A_150, %get3A_156 : vector<16xf32>
      %swap3A_158 = arith.constant 3 : i32
      %swap3A_159 = arith.index_cast %scan3A_65 : i32 to index
      %swap3A_160 = arith.index_cast %swap3A_158 : i32 to index
      %swap3A_161 = arith.constant 0 : index
      %swap3A_162 = tpu.vector_load %arg22[%swap3A_159, %swap3A_160, %swap3A_161] {strides = array<i32>} : memref<128x4x16xf32, #tpu.memory_space<vmem>>, vector<1x1x16xf32>,
      %swap3A_163 = vector.shape_cast %swap3A_162 : vector<1x1x16xf32> to vector<16xf32>
      %swap3A_164 = vector.shape_cast %mul3A_157 : vector<16xf32> to vector<1x1x16xf32>
      tpu.vector_store %arg22[%swap3A_159, %swap3A_160, %swap3A_161], %swap3A_164 {strides = array<i32>} : memref<128x4x16xf32, #tpu.memory_space<vmem>>, vector<1x1x16xf32>,
    }
    %scan3A_55 = arith.constant 128 : i32
    "tpu.region"() ({
      %run_scoped3A = tpu.sem_alloc : memref<!tpu.dma_semaphore, #tpu.memory_space<semaphore_mem>>
      %dma_start3A_65 = arith.constant 0 : i32
      %dma_start3A_66 = arith.constant 0 : i32
      %dma_start3A_67 = arith.constant 0 : i32
      %dma_start3A_68 = tpu.memref_slice %arg23[%dma_start3A_65, %dma_start3A_66, %dma_start3A_67] : memref<10240x4x16xf32, #tpu.memory_space<vmem_shared>> -> memref<10240x4x16xf32, #tpu.memory_space<vmem_shared>>
      tpu.enqueue_indirect_dma source(%arg22 : memref<128x4x16xf32, #tpu.memory_space<vmem>>) target(%dma_start3A_68 : memref<10240x4x16xf32, #tpu.memory_space<vmem_shared>>) offsets(%arg12 : memref<128xi32, #tpu.memory_space<vmem>>) semaphore(%run_scoped3A : memref<!tpu.dma_semaphore, #tpu.memory_space<semaphore_mem>>) {add = true}
      %dma_wait3A_69 = arith.constant 0 : i32
      %dma_wait3A_70 = arith.constant 0 : i32
      %dma_wait3A_71 = arith.constant 0 : i32
      %dma_wait3A_72 = tpu.memref_slice %arg23[%dma_wait3A_69, %dma_wait3A_70, %dma_wait3A_71] : memref<10240x4x16xf32, #tpu.memory_space<vmem_shared>> -> memref<10240x4x16xf32, #tpu.memory_space<vmem_shared>>
      tpu.wait_indirect_dma semaphore(%run_scoped3A : memref<!tpu.dma_semaphore, #tpu.memory_space<semaphore_mem>>) src(%arg22 : memref<128x4x16xf32, #tpu.memory_space<vmem>>) dst(%dma_wait3A_72 : memref<10240x4x16xf32, #tpu.memory_space<vmem_shared>>)
      tpu.yield
    }) : () -> ()
    "tpu.region"() ({
      %run_scoped3A = tpu.sem_alloc : memref<!tpu.dma_semaphore, #tpu.memory_space<semaphore_mem>>
      %dma_start3A_65 = arith.constant 0 : i32
      %dma_start3A_66 = arith.constant 0 : i32
      %dma_start3A_67 = tpu.memref_slice %arg24[%dma_start3A_65, %dma_start3A_66] : memref<10240x16xf32, #tpu.memory_space<vmem_shared>> -> memref<10240x16xf32, #tpu.memory_space<vmem_shared>>
      tpu.enqueue_indirect_dma source(%arg21 : memref<128x16xf32, #tpu.memory_space<vmem>>) target(%dma_start3A_67 : memref<10240x16xf32, #tpu.memory_space<vmem_shared>>) offsets(%arg12 : memref<128xi32, #tpu.memory_space<vmem>>) semaphore(%run_scoped3A : memref<!tpu.dma_semaphore, #tpu.memory_space<semaphore_mem>>) {add = true}
      %dma_wait3A_68 = arith.constant 0 : i32
      %dma_wait3A_69 = arith.constant 0 : i32
      %dma_wait3A_70 = tpu.memref_slice %arg24[%dma_wait3A_68, %dma_wait3A_69] : memref<10240x16xf32, #tpu.memory_space<vmem_shared>> -> memref<10240x16xf32, #tpu.memory_space<vmem_shared>>
      tpu.wait_indirect_dma semaphore(%run_scoped3A : memref<!tpu.dma_semaphore, #tpu.memory_space<semaphore_mem>>) src(%arg21 : memref<128x16xf32, #tpu.memory_space<vmem>>) dst(%dma_wait3A_70 : memref<10240x16xf32, #tpu.memory_space<vmem_shared>>)
      tpu.yield
    }) : () -> ()
    %barrier3A_56 = arith.constant 0 : index
    tpu.barrier barrier_id(%barrier3A_56)
    %mul3A_57 = arith.constant 640 : i32
    %mul3A_58 = arith.muli %arg1, %mul3A_57 : i32
    %mul3A_59 = arith.constant 640 : i32
    %mul3A_60 = arith.muli %arg1, %mul3A_59 : i32
    "tpu.region"() ({
      %run_scoped3A = tpu.sem_alloc : memref<!tpu.dma_semaphore, #tpu.memory_space<semaphore_mem>>
      %dma_start3A_65 = arith.constant 0 : i32
      %dma_start3A_66 = arith.constant 0 : i32
      %dma_start3A_67 = tpu.memref_slice %arg9[%arg0, %mul3A_60, %dma_start3A_65, %dma_start3A_66] : memref<2x10240x4x16xf32, #tpu.memory_space<hbm>> -> memref<1x640x4x16xf32, #tpu.memory_space<hbm>>
      %dma_start3A_68 = tpu.memref_squeeze %dma_start3A_67 : memref<1x640x4x16xf32, #tpu.memory_space<hbm>> -> memref<640x4x16xf32, #tpu.memory_space<hbm>>
      %dma_start3A_69 = arith.constant 0 : i32
      %dma_start3A_70 = arith.constant 0 : i32
      %dma_start3A_71 = tpu.memref_slice %arg23[%mul3A_58, %dma_start3A_69, %dma_start3A_70] : memref<10240x4x16xf32, #tpu.memory_space<vmem_shared>> -> memref<640x4x16xf32, #tpu.memory_space<vmem_shared>>
      tpu.enqueue_dma source(%dma_start3A_71 : memref<640x4x16xf32, #tpu.memory_space<vmem_shared>>) target(%dma_start3A_68 : memref<640x4x16xf32, #tpu.memory_space<hbm>>) target_semaphore(%run_scoped3A : memref<!tpu.dma_semaphore, #tpu.memory_space<semaphore_mem>>)
      %dma_wait3A_72 = arith.constant 0 : i32
      %dma_wait3A_73 = arith.constant 0 : i32
      %dma_wait3A_74 = tpu.memref_slice %arg9[%arg0, %mul3A_60, %dma_wait3A_72, %dma_wait3A_73] : memref<2x10240x4x16xf32, #tpu.memory_space<hbm>> -> memref<1x640x4x16xf32, #tpu.memory_space<hbm>>
      %dma_wait3A_75 = tpu.memref_squeeze %dma_wait3A_74 : memref<1x640x4x16xf32, #tpu.memory_space<hbm>> -> memref<640x4x16xf32, #tpu.memory_space<hbm>>
      %dma_wait3A_76 = arith.constant 0 : i32
      %dma_wait3A_77 = arith.constant 0 : i32
      %dma_wait3A_78 = tpu.memref_slice %arg23[%mul3A_58, %dma_wait3A_76, %dma_wait3A_77] : memref<10240x4x16xf32, #tpu.memory_space<vmem_shared>> -> memref<640x4x16xf32, #tpu.memory_space<vmem_shared>>
      tpu.wait_dma2 semaphore(%run_scoped3A : memref<!tpu.dma_semaphore, #tpu.memory_space<semaphore_mem>>) src(%dma_wait3A_78 : memref<640x4x16xf32, #tpu.memory_space<vmem_shared>>) dst(%dma_wait3A_75 : memref<640x4x16xf32, #tpu.memory_space<hbm>>)
      tpu.yield
    }) : () -> ()
    %mul3A_61 = arith.constant 640 : i32
    %mul3A_62 = arith.muli %arg1, %mul3A_61 : i32
    %mul3A_63 = arith.constant 640 : i32
    %mul3A_64 = arith.muli %arg1, %mul3A_63 : i32
    "tpu.region"() ({
      %run_scoped3A = tpu.sem_alloc : memref<!tpu.dma_semaphore, #tpu.memory_space<semaphore_mem>>
      %dma_start3A_65 = arith.constant 0 : i32
      %dma_start3A_66 = tpu.memref_slice %arg10[%arg0, %mul3A_64, %dma_start3A_65] : memref<2x10240x16xf32, #tpu.memory_space<hbm>> -> memref<1x640x16xf32, #tpu.memory_space<hbm>>
      %dma_start3A_67 = tpu.memref_squeeze %dma_start3A_66 : memref<1x640x16xf32, #tpu.memory_space<hbm>> -> memref<640x16xf32, #tpu.memory_space<hbm>>
      %dma_start3A_68 = arith.constant 0 : i32
      %dma_start3A_69 = tpu.memref_slice %arg24[%mul3A_62, %dma_start3A_68] : memref<10240x16xf32, #tpu.memory_space<vmem_shared>> -> memref<640x16xf32, #tpu.memory_space<vmem_shared>>
      tpu.enqueue_dma source(%dma_start3A_69 : memref<640x16xf32, #tpu.memory_space<vmem_shared>>) target(%dma_start3A_67 : memref<640x16xf32, #tpu.memory_space<hbm>>) target_semaphore(%run_scoped3A : memref<!tpu.dma_semaphore, #tpu.memory_space<semaphore_mem>>)
      %dma_wait3A_70 = arith.constant 0 : i32
      %dma_wait3A_71 = tpu.memref_slice %arg10[%arg0, %mul3A_64, %dma_wait3A_70] : memref<2x10240x16xf32, #tpu.memory_space<hbm>> -> memref<1x640x16xf32, #tpu.memory_space<hbm>>
      %dma_wait3A_72 = tpu.memref_squeeze %dma_wait3A_71 : memref<1x640x16xf32, #tpu.memory_space<hbm>> -> memref<640x16xf32, #tpu.memory_space<hbm>>
      %dma_wait3A_73 = arith.constant 0 : i32
      %dma_wait3A_74 = tpu.memref_slice %arg24[%mul3A_62, %dma_wait3A_73] : memref<10240x16xf32, #tpu.memory_space<vmem_shared>> -> memref<640x16xf32, #tpu.memory_space<vmem_shared>>
      tpu.wait_dma2 semaphore(%run_scoped3A : memref<!tpu.dma_semaphore, #tpu.memory_space<semaphore_mem>>) src(%dma_wait3A_74 : memref<640x16xf32, #tpu.memory_space<vmem_shared>>) dst(%dma_wait3A_72 : memref<640x16xf32, #tpu.memory_space<hbm>>)
      tpu.yield
    }) : () -> ()
    return
  }
}

#map = affine_map<(d0, d1) -> (0)>
#map1 = affine_map<(d0, d1) -> (0, 0)>
#map2 = affine_map<(d0, d1) -> (0, 0, 0)>
module attributes {stable_mosaic.version = 14 : i64} {
  func.func @k(%arg0: i32, %arg1: i32, %arg2: memref<323584xi32, #tpu.memory_space<hbm>>, %arg3: memref<323584xi32, #tpu.memory_space<hbm>>, %arg4: memref<10240x16xf32, #tpu.memory_space<hbm>>, %arg5: memref<10240x16xf32, #tpu.memory_space<hbm>>, %arg6: memref<10240x16xf32, #tpu.memory_space<hbm>>, %arg7: memref<10240x16xf32, #tpu.memory_space<hbm>>, %arg8: memref<2x10240x16xf32, #tpu.memory_space<hbm>>, %arg9: memref<128xi32, #tpu.memory_space<vmem>>, %arg10: memref<128xi32, #tpu.memory_space<vmem>>, %arg11: memref<128x16xf32, #tpu.memory_space<vmem>>, %arg12: memref<128x16xf32, #tpu.memory_space<vmem>>, %arg13: memref<128x16xf32, #tpu.memory_space<vmem>>, %arg14: memref<128xi32, #tpu.memory_space<vmem>>, %arg15: memref<128xi32, #tpu.memory_space<vmem>>, %arg16: memref<128x16xf32, #tpu.memory_space<vmem>>, %arg17: memref<128x16xf32, #tpu.memory_space<vmem>>, %arg18: memref<128x16xf32, #tpu.memory_space<vmem>>, %arg19: memref<128x16xf32, #tpu.memory_space<vmem>>, %arg20: memref<10240x16xf32, #tpu.memory_space<vmem_shared>>, %arg21: memref<!tpu.dma_semaphore, #tpu.memory_space<semaphore_mem>>, %arg22: memref<!tpu.dma_semaphore, #tpu.memory_space<semaphore_mem>>) attributes {dimension_semantics = [#tpu.dimension_semantics<core_parallel>, #tpu.dimension_semantics<subcore_parallel>], iteration_bounds = array<i64: 2, 16>, scalar_prefetch = 0 : i64, scratch_operands = 14 : i64, tpu.core_type = #tpu.core_type<sc_vector_subcore>, window_params = [{transform_indices = #map}, {transform_indices = #map}, {transform_indices = #map1}, {transform_indices = #map1}, {transform_indices = #map1}, {transform_indices = #map1}, {transform_indices = #map2}]} {
    %eq3A = arith.constant 0 : i32
    %eq3A_0 = arith.cmpi eq, %arg1, %eq3A : i32
    %convert_element_type3A = arith.extui %eq3A_0 : i1 to i32
    %cond3A = arith.constant 0 : i32
    %cond3A_1 = arith.cmpi ne, %convert_element_type3A, %cond3A : i32
    scf.if %cond3A_1 {
      "tpu.region"() ({
        %run_scoped3A = tpu.sem_alloc : memref<!tpu.dma_semaphore, #tpu.memory_space<semaphore_mem>>
        tpu.enqueue_dma source(%arg7 : memref<10240x16xf32, #tpu.memory_space<hbm>>) target(%arg20 : memref<10240x16xf32, #tpu.memory_space<vmem_shared>>) target_semaphore(%run_scoped3A : memref<!tpu.dma_semaphore, #tpu.memory_space<semaphore_mem>>)
        tpu.wait_dma2 semaphore(%run_scoped3A : memref<!tpu.dma_semaphore, #tpu.memory_space<semaphore_mem>>) src(%arg7 : memref<10240x16xf32, #tpu.memory_space<hbm>>) dst(%arg20 : memref<10240x16xf32, #tpu.memory_space<vmem_shared>>)
        tpu.yield
      }) : () -> ()
    } else {
    }
    %barrier3A = arith.constant 0 : index
    tpu.barrier barrier_id(%barrier3A)
    %mul3A = arith.constant 2 : i32
    %mul3A_2 = arith.muli %arg1, %mul3A : i32
    %add3A = arith.addi %mul3A_2, %arg0 : i32
    %mul3A_3 = arith.constant 79 : i32
    %mul3A_4 = arith.muli %add3A, %mul3A_3 : i32
    %add3A_5 = arith.constant 0 : i32
    %add3A_6 = arith.addi %mul3A_4, %add3A_5 : i32
    %mul3A_7 = arith.constant 128 : i32
    %mul3A_8 = arith.muli %add3A_6, %mul3A_7 : i32
    %dma_start3A = tpu.memref_slice %arg2[%mul3A_8] : memref<323584xi32, #tpu.memory_space<hbm>> -> memref<128xi32, #tpu.memory_space<hbm>>
    %dma_start3A_9 = tpu.memref_slice %arg2[%mul3A_8] : memref<323584xi32, #tpu.memory_space<hbm>> -> memref<128xi32, #tpu.memory_space<hbm>>
    tpu.enqueue_dma source(%dma_start3A_9 : memref<128xi32, #tpu.memory_space<hbm>>) target(%arg9 : memref<128xi32, #tpu.memory_space<vmem>>) target_semaphore(%arg21 : memref<!tpu.dma_semaphore, #tpu.memory_space<semaphore_mem>>)
    %dma_start3A_10 = tpu.memref_slice %arg3[%mul3A_8] : memref<323584xi32, #tpu.memory_space<hbm>> -> memref<128xi32, #tpu.memory_space<hbm>>
    %dma_start3A_11 = tpu.memref_slice %arg3[%mul3A_8] : memref<323584xi32, #tpu.memory_space<hbm>> -> memref<128xi32, #tpu.memory_space<hbm>>
    tpu.enqueue_dma source(%dma_start3A_11 : memref<128xi32, #tpu.memory_space<hbm>>) target(%arg10 : memref<128xi32, #tpu.memory_space<vmem>>) target_semaphore(%arg21 : memref<!tpu.dma_semaphore, #tpu.memory_space<semaphore_mem>>)
    %dma_wait3A = tpu.memref_slice %arg2[%mul3A_8] : memref<323584xi32, #tpu.memory_space<hbm>> -> memref<128xi32, #tpu.memory_space<hbm>>
    %dma_wait3A_12 = tpu.memref_slice %arg2[%mul3A_8] : memref<323584xi32, #tpu.memory_space<hbm>> -> memref<128xi32, #tpu.memory_space<hbm>>
    tpu.wait_dma2 semaphore(%arg21 : memref<!tpu.dma_semaphore, #tpu.memory_space<semaphore_mem>>) src(%dma_wait3A_12 : memref<128xi32, #tpu.memory_space<hbm>>) dst(%arg9 : memref<128xi32, #tpu.memory_space<vmem>>)
    %dma_wait3A_13 = tpu.memref_slice %arg3[%mul3A_8] : memref<323584xi32, #tpu.memory_space<hbm>> -> memref<128xi32, #tpu.memory_space<hbm>>
    %dma_wait3A_14 = tpu.memref_slice %arg3[%mul3A_8] : memref<323584xi32, #tpu.memory_space<hbm>> -> memref<128xi32, #tpu.memory_space<hbm>>
    tpu.wait_dma2 semaphore(%arg21 : memref<!tpu.dma_semaphore, #tpu.memory_space<semaphore_mem>>) src(%dma_wait3A_14 : memref<128xi32, #tpu.memory_space<hbm>>) dst(%arg10 : memref<128xi32, #tpu.memory_space<vmem>>)
    %dma_start3A_15 = arith.constant 0 : i32
    %dma_start3A_16 = arith.constant 0 : i32
    %dma_start3A_17 = tpu.memref_slice %arg4[%dma_start3A_15, %dma_start3A_16] : memref<10240x16xf32, #tpu.memory_space<hbm>> -> memref<10240x16xf32, #tpu.memory_space<hbm>>
    tpu.enqueue_indirect_dma source(%dma_start3A_17 : memref<10240x16xf32, #tpu.memory_space<hbm>>) target(%arg11 : memref<128x16xf32, #tpu.memory_space<vmem>>) offsets(%arg9 : memref<128xi32, #tpu.memory_space<vmem>>) semaphore(%arg21 : memref<!tpu.dma_semaphore, #tpu.memory_space<semaphore_mem>>)
    %dma_start3A_18 = arith.constant 0 : i32
    %dma_start3A_19 = arith.constant 0 : i32
    %dma_start3A_20 = tpu.memref_slice %arg5[%dma_start3A_18, %dma_start3A_19] : memref<10240x16xf32, #tpu.memory_space<hbm>> -> memref<10240x16xf32, #tpu.memory_space<hbm>>
    tpu.enqueue_indirect_dma source(%dma_start3A_20 : memref<10240x16xf32, #tpu.memory_space<hbm>>) target(%arg12 : memref<128x16xf32, #tpu.memory_space<vmem>>) offsets(%arg10 : memref<128xi32, #tpu.memory_space<vmem>>) semaphore(%arg21 : memref<!tpu.dma_semaphore, #tpu.memory_space<semaphore_mem>>)
    %dma_start3A_21 = arith.constant 0 : i32
    %dma_start3A_22 = arith.constant 0 : i32
    %dma_start3A_23 = tpu.memref_slice %arg6[%dma_start3A_21, %dma_start3A_22] : memref<10240x16xf32, #tpu.memory_space<hbm>> -> memref<10240x16xf32, #tpu.memory_space<hbm>>
    tpu.enqueue_indirect_dma source(%dma_start3A_23 : memref<10240x16xf32, #tpu.memory_space<hbm>>) target(%arg13 : memref<128x16xf32, #tpu.memory_space<vmem>>) offsets(%arg9 : memref<128xi32, #tpu.memory_space<vmem>>) semaphore(%arg21 : memref<!tpu.dma_semaphore, #tpu.memory_space<semaphore_mem>>)
    %scan3A = arith.constant 0 : i32
    %scan3A_24 = arith.constant 0 : i32
    %scan3A_25 = arith.constant 39 : i32
    %scan3A_26 = arith.addi %scan3A_24, %scan3A_25 : i32
    %scan3A_27 = arith.constant 1 : i32
    scf.for %scan3A_58 = %scan3A_24 to %scan3A_26 step %scan3A_27  : i32 {
      %mul3A_59 = arith.constant 2 : i32
      %mul3A_60 = arith.muli %scan3A_58, %mul3A_59 : i32
      %add3A_61 = arith.constant 1 : i32
      %add3A_62 = arith.addi %mul3A_60, %add3A_61 : i32
      %mul3A_63 = arith.constant 79 : i32
      %mul3A_64 = arith.muli %add3A, %mul3A_63 : i32
      %add3A_65 = arith.addi %mul3A_64, %add3A_62 : i32
      %mul3A_66 = arith.constant 128 : i32
      %mul3A_67 = arith.muli %add3A_65, %mul3A_66 : i32
      %dma_start3A_68 = tpu.memref_slice %arg2[%mul3A_67] : memref<323584xi32, #tpu.memory_space<hbm>> -> memref<128xi32, #tpu.memory_space<hbm>>
      %dma_start3A_69 = tpu.memref_slice %arg2[%mul3A_67] : memref<323584xi32, #tpu.memory_space<hbm>> -> memref<128xi32, #tpu.memory_space<hbm>>
      tpu.enqueue_dma source(%dma_start3A_69 : memref<128xi32, #tpu.memory_space<hbm>>) target(%arg14 : memref<128xi32, #tpu.memory_space<vmem>>) target_semaphore(%arg22 : memref<!tpu.dma_semaphore, #tpu.memory_space<semaphore_mem>>)
      %dma_start3A_70 = tpu.memref_slice %arg3[%mul3A_67] : memref<323584xi32, #tpu.memory_space<hbm>> -> memref<128xi32, #tpu.memory_space<hbm>>
      %dma_start3A_71 = tpu.memref_slice %arg3[%mul3A_67] : memref<323584xi32, #tpu.memory_space<hbm>> -> memref<128xi32, #tpu.memory_space<hbm>>
      tpu.enqueue_dma source(%dma_start3A_71 : memref<128xi32, #tpu.memory_space<hbm>>) target(%arg15 : memref<128xi32, #tpu.memory_space<vmem>>) target_semaphore(%arg22 : memref<!tpu.dma_semaphore, #tpu.memory_space<semaphore_mem>>)
      %dma_wait3A_72 = tpu.memref_slice %arg2[%mul3A_67] : memref<323584xi32, #tpu.memory_space<hbm>> -> memref<128xi32, #tpu.memory_space<hbm>>
      %dma_wait3A_73 = tpu.memref_slice %arg2[%mul3A_67] : memref<323584xi32, #tpu.memory_space<hbm>> -> memref<128xi32, #tpu.memory_space<hbm>>
      tpu.wait_dma2 semaphore(%arg22 : memref<!tpu.dma_semaphore, #tpu.memory_space<semaphore_mem>>) src(%dma_wait3A_73 : memref<128xi32, #tpu.memory_space<hbm>>) dst(%arg14 : memref<128xi32, #tpu.memory_space<vmem>>)
      %dma_wait3A_74 = tpu.memref_slice %arg3[%mul3A_67] : memref<323584xi32, #tpu.memory_space<hbm>> -> memref<128xi32, #tpu.memory_space<hbm>>
      %dma_wait3A_75 = tpu.memref_slice %arg3[%mul3A_67] : memref<323584xi32, #tpu.memory_space<hbm>> -> memref<128xi32, #tpu.memory_space<hbm>>
      tpu.wait_dma2 semaphore(%arg22 : memref<!tpu.dma_semaphore, #tpu.memory_space<semaphore_mem>>) src(%dma_wait3A_75 : memref<128xi32, #tpu.memory_space<hbm>>) dst(%arg15 : memref<128xi32, #tpu.memory_space<vmem>>)
      %dma_start3A_76 = arith.constant 0 : i32
      %dma_start3A_77 = arith.constant 0 : i32
      %dma_start3A_78 = tpu.memref_slice %arg4[%dma_start3A_76, %dma_start3A_77] : memref<10240x16xf32, #tpu.memory_space<hbm>> -> memref<10240x16xf32, #tpu.memory_space<hbm>>
      tpu.enqueue_indirect_dma source(%dma_start3A_78 : memref<10240x16xf32, #tpu.memory_space<hbm>>) target(%arg16 : memref<128x16xf32, #tpu.memory_space<vmem>>) offsets(%arg14 : memref<128xi32, #tpu.memory_space<vmem>>) semaphore(%arg22 : memref<!tpu.dma_semaphore, #tpu.memory_space<semaphore_mem>>)
      %dma_start3A_79 = arith.constant 0 : i32
      %dma_start3A_80 = arith.constant 0 : i32
      %dma_start3A_81 = tpu.memref_slice %arg5[%dma_start3A_79, %dma_start3A_80] : memref<10240x16xf32, #tpu.memory_space<hbm>> -> memref<10240x16xf32, #tpu.memory_space<hbm>>
      tpu.enqueue_indirect_dma source(%dma_start3A_81 : memref<10240x16xf32, #tpu.memory_space<hbm>>) target(%arg17 : memref<128x16xf32, #tpu.memory_space<vmem>>) offsets(%arg15 : memref<128xi32, #tpu.memory_space<vmem>>) semaphore(%arg22 : memref<!tpu.dma_semaphore, #tpu.memory_space<semaphore_mem>>)
      %dma_start3A_82 = arith.constant 0 : i32
      %dma_start3A_83 = arith.constant 0 : i32
      %dma_start3A_84 = tpu.memref_slice %arg6[%dma_start3A_82, %dma_start3A_83] : memref<10240x16xf32, #tpu.memory_space<hbm>> -> memref<10240x16xf32, #tpu.memory_space<hbm>>
      tpu.enqueue_indirect_dma source(%dma_start3A_84 : memref<10240x16xf32, #tpu.memory_space<hbm>>) target(%arg18 : memref<128x16xf32, #tpu.memory_space<vmem>>) offsets(%arg14 : memref<128xi32, #tpu.memory_space<vmem>>) semaphore(%arg22 : memref<!tpu.dma_semaphore, #tpu.memory_space<semaphore_mem>>)
      %dma_wait3A_85 = arith.constant 0 : i32
      %dma_wait3A_86 = arith.constant 0 : i32
      %dma_wait3A_87 = tpu.memref_slice %arg4[%dma_wait3A_85, %dma_wait3A_86] : memref<10240x16xf32, #tpu.memory_space<hbm>> -> memref<128x16xf32, #tpu.memory_space<hbm>>
      %dma_wait3A_88 = arith.constant 0 : i32
      %dma_wait3A_89 = arith.constant 0 : i32
      %dma_wait3A_90 = tpu.memref_slice %arg4[%dma_wait3A_88, %dma_wait3A_89] : memref<10240x16xf32, #tpu.memory_space<hbm>> -> memref<128x16xf32, #tpu.memory_space<hbm>>
      tpu.wait_dma2 semaphore(%arg21 : memref<!tpu.dma_semaphore, #tpu.memory_space<semaphore_mem>>) src(%dma_wait3A_90 : memref<128x16xf32, #tpu.memory_space<hbm>>) dst(%arg11 : memref<128x16xf32, #tpu.memory_space<vmem>>)
      %dma_wait3A_91 = arith.constant 0 : i32
      %dma_wait3A_92 = arith.constant 0 : i32
      %dma_wait3A_93 = tpu.memref_slice %arg5[%dma_wait3A_91, %dma_wait3A_92] : memref<10240x16xf32, #tpu.memory_space<hbm>> -> memref<128x16xf32, #tpu.memory_space<hbm>>
      %dma_wait3A_94 = arith.constant 0 : i32
      %dma_wait3A_95 = arith.constant 0 : i32
      %dma_wait3A_96 = tpu.memref_slice %arg5[%dma_wait3A_94, %dma_wait3A_95] : memref<10240x16xf32, #tpu.memory_space<hbm>> -> memref<128x16xf32, #tpu.memory_space<hbm>>
      tpu.wait_dma2 semaphore(%arg21 : memref<!tpu.dma_semaphore, #tpu.memory_space<semaphore_mem>>) src(%dma_wait3A_96 : memref<128x16xf32, #tpu.memory_space<hbm>>) dst(%arg12 : memref<128x16xf32, #tpu.memory_space<vmem>>)
      %dma_wait3A_97 = arith.constant 0 : i32
      %dma_wait3A_98 = arith.constant 0 : i32
      %dma_wait3A_99 = tpu.memref_slice %arg6[%dma_wait3A_97, %dma_wait3A_98] : memref<10240x16xf32, #tpu.memory_space<hbm>> -> memref<128x16xf32, #tpu.memory_space<hbm>>
      %dma_wait3A_100 = arith.constant 0 : i32
      %dma_wait3A_101 = arith.constant 0 : i32
      %dma_wait3A_102 = tpu.memref_slice %arg6[%dma_wait3A_100, %dma_wait3A_101] : memref<10240x16xf32, #tpu.memory_space<hbm>> -> memref<128x16xf32, #tpu.memory_space<hbm>>
      tpu.wait_dma2 semaphore(%arg21 : memref<!tpu.dma_semaphore, #tpu.memory_space<semaphore_mem>>) src(%dma_wait3A_102 : memref<128x16xf32, #tpu.memory_space<hbm>>) dst(%arg13 : memref<128x16xf32, #tpu.memory_space<vmem>>)
      %scan3A_103 = arith.constant 0 : i32
      %scan3A_104 = arith.constant 0 : i32
      %scan3A_105 = arith.constant 128 : i32
      %scan3A_106 = arith.addi %scan3A_104, %scan3A_105 : i32
      %scan3A_107 = arith.constant 1 : i32
      scf.for %scan3A_157 = %scan3A_104 to %scan3A_106 step %scan3A_107  : i32 {
        %get3A = arith.index_cast %scan3A_157 : i32 to index
        %get3A_158 = arith.constant 0 : index
        %get3A_159 = tpu.vector_load %arg11[%get3A, %get3A_158] {strides = array<i32>} : memref<128x16xf32, #tpu.memory_space<vmem>>, vector<1x16xf32>,
        %get3A_160 = vector.shape_cast %get3A_159 : vector<1x16xf32> to vector<16xf32>
        %get3A_161 = arith.index_cast %scan3A_157 : i32 to index
        %get3A_162 = arith.constant 0 : index
        %get3A_163 = tpu.vector_load %arg12[%get3A_161, %get3A_162] {strides = array<i32>} : memref<128x16xf32, #tpu.memory_space<vmem>>, vector<1x16xf32>,
        %get3A_164 = vector.shape_cast %get3A_163 : vector<1x16xf32> to vector<16xf32>
        %add3A_165 = arith.addf %get3A_160, %get3A_164 : vector<16xf32>
        %mul3A_166 = arith.constant 2.000000e-01 : f32
        %mul3A_167 = vector.broadcast %mul3A_166 : f32 to vector<16xf32>
        %mul3A_168 = arith.mulf %add3A_165, %mul3A_167 : vector<16xf32>
        %max3A = arith.maximumf %add3A_165, %mul3A_168 : vector<16xf32>
        %exp3A = math.exp %max3A : vector<16xf32>
        %slice3A = vector.extract_strided_slice %exp3A {offsets = [0], sizes = [1], strides = [1]} : vector<16xf32> to vector<1xf32>
        %squeeze3A = vector.extract %slice3A[0] : f32 from vector<1xf32>
        %broadcast_in_dim3A = vector.broadcast %squeeze3A : f32 to vector<16xf32>
        %get3A_169 = arith.index_cast %scan3A_157 : i32 to index
        %get3A_170 = arith.constant 0 : index
        %get3A_171 = tpu.vector_load %arg13[%get3A_169, %get3A_170] {strides = array<i32>} : memref<128x16xf32, #tpu.memory_space<vmem>>, vector<1x16xf32>,
        %get3A_172 = vector.shape_cast %get3A_171 : vector<1x16xf32> to vector<16xf32>
        %mul3A_173 = arith.mulf %broadcast_in_dim3A, %get3A_172 : vector<16xf32>
        %swap3A = arith.index_cast %scan3A_157 : i32 to index
        %swap3A_174 = arith.constant 0 : index
        %swap3A_175 = tpu.vector_load %arg19[%swap3A, %swap3A_174] {strides = array<i32>} : memref<128x16xf32, #tpu.memory_space<vmem>>, vector<1x16xf32>,
        %swap3A_176 = vector.shape_cast %swap3A_175 : vector<1x16xf32> to vector<16xf32>
        %swap3A_177 = vector.shape_cast %mul3A_173 : vector<16xf32> to vector<1x16xf32>
        tpu.vector_store %arg19[%swap3A, %swap3A_174], %swap3A_177 {strides = array<i32>} : memref<128x16xf32, #tpu.memory_space<vmem>>, vector<1x16xf32>,
      }
      %scan3A_108 = arith.constant 128 : i32
      "tpu.region"() ({
        %run_scoped3A = tpu.sem_alloc : memref<!tpu.dma_semaphore, #tpu.memory_space<semaphore_mem>>
        %dma_start3A_157 = arith.constant 0 : i32
        %dma_start3A_158 = arith.constant 0 : i32
        %dma_start3A_159 = tpu.memref_slice %arg20[%dma_start3A_157, %dma_start3A_158] : memref<10240x16xf32, #tpu.memory_space<vmem_shared>> -> memref<10240x16xf32, #tpu.memory_space<vmem_shared>>
        tpu.enqueue_indirect_dma source(%arg19 : memref<128x16xf32, #tpu.memory_space<vmem>>) target(%dma_start3A_159 : memref<10240x16xf32, #tpu.memory_space<vmem_shared>>) offsets(%arg10 : memref<128xi32, #tpu.memory_space<vmem>>) semaphore(%run_scoped3A : memref<!tpu.dma_semaphore, #tpu.memory_space<semaphore_mem>>) {add = true}
        %dma_wait3A_160 = arith.constant 0 : i32
        %dma_wait3A_161 = arith.constant 0 : i32
        %dma_wait3A_162 = tpu.memref_slice %arg20[%dma_wait3A_160, %dma_wait3A_161] : memref<10240x16xf32, #tpu.memory_space<vmem_shared>> -> memref<10240x16xf32, #tpu.memory_space<vmem_shared>>
        tpu.wait_indirect_dma semaphore(%run_scoped3A : memref<!tpu.dma_semaphore, #tpu.memory_space<semaphore_mem>>) src(%arg19 : memref<128x16xf32, #tpu.memory_space<vmem>>) dst(%dma_wait3A_162 : memref<10240x16xf32, #tpu.memory_space<vmem_shared>>)
        tpu.yield
      }) : () -> ()
      %add3A_109 = arith.constant 2 : i32
      %add3A_110 = arith.addi %mul3A_60, %add3A_109 : i32
      %mul3A_111 = arith.constant 79 : i32
      %mul3A_112 = arith.muli %add3A, %mul3A_111 : i32
      %add3A_113 = arith.addi %mul3A_112, %add3A_110 : i32
      %mul3A_114 = arith.constant 128 : i32
      %mul3A_115 = arith.muli %add3A_113, %mul3A_114 : i32
      %dma_start3A_116 = tpu.memref_slice %arg2[%mul3A_115] : memref<323584xi32, #tpu.memory_space<hbm>> -> memref<128xi32, #tpu.memory_space<hbm>>
      %dma_start3A_117 = tpu.memref_slice %arg2[%mul3A_115] : memref<323584xi32, #tpu.memory_space<hbm>> -> memref<128xi32, #tpu.memory_space<hbm>>
      tpu.enqueue_dma source(%dma_start3A_117 : memref<128xi32, #tpu.memory_space<hbm>>) target(%arg9 : memref<128xi32, #tpu.memory_space<vmem>>) target_semaphore(%arg21 : memref<!tpu.dma_semaphore, #tpu.memory_space<semaphore_mem>>)
      %dma_start3A_118 = tpu.memref_slice %arg3[%mul3A_115] : memref<323584xi32, #tpu.memory_space<hbm>> -> memref<128xi32, #tpu.memory_space<hbm>>
      %dma_start3A_119 = tpu.memref_slice %arg3[%mul3A_115] : memref<323584xi32, #tpu.memory_space<hbm>> -> memref<128xi32, #tpu.memory_space<hbm>>
      tpu.enqueue_dma source(%dma_start3A_119 : memref<128xi32, #tpu.memory_space<hbm>>) target(%arg10 : memref<128xi32, #tpu.memory_space<vmem>>) target_semaphore(%arg21 : memref<!tpu.dma_semaphore, #tpu.memory_space<semaphore_mem>>)
      %dma_wait3A_120 = tpu.memref_slice %arg2[%mul3A_115] : memref<323584xi32, #tpu.memory_space<hbm>> -> memref<128xi32, #tpu.memory_space<hbm>>
      %dma_wait3A_121 = tpu.memref_slice %arg2[%mul3A_115] : memref<323584xi32, #tpu.memory_space<hbm>> -> memref<128xi32, #tpu.memory_space<hbm>>
      tpu.wait_dma2 semaphore(%arg21 : memref<!tpu.dma_semaphore, #tpu.memory_space<semaphore_mem>>) src(%dma_wait3A_121 : memref<128xi32, #tpu.memory_space<hbm>>) dst(%arg9 : memref<128xi32, #tpu.memory_space<vmem>>)
      %dma_wait3A_122 = tpu.memref_slice %arg3[%mul3A_115] : memref<323584xi32, #tpu.memory_space<hbm>> -> memref<128xi32, #tpu.memory_space<hbm>>
      %dma_wait3A_123 = tpu.memref_slice %arg3[%mul3A_115] : memref<323584xi32, #tpu.memory_space<hbm>> -> memref<128xi32, #tpu.memory_space<hbm>>
      tpu.wait_dma2 semaphore(%arg21 : memref<!tpu.dma_semaphore, #tpu.memory_space<semaphore_mem>>) src(%dma_wait3A_123 : memref<128xi32, #tpu.memory_space<hbm>>) dst(%arg10 : memref<128xi32, #tpu.memory_space<vmem>>)
      %dma_start3A_124 = arith.constant 0 : i32
      %dma_start3A_125 = arith.constant 0 : i32
      %dma_start3A_126 = tpu.memref_slice %arg4[%dma_start3A_124, %dma_start3A_125] : memref<10240x16xf32, #tpu.memory_space<hbm>> -> memref<10240x16xf32, #tpu.memory_space<hbm>>
      tpu.enqueue_indirect_dma source(%dma_start3A_126 : memref<10240x16xf32, #tpu.memory_space<hbm>>) target(%arg11 : memref<128x16xf32, #tpu.memory_space<vmem>>) offsets(%arg9 : memref<128xi32, #tpu.memory_space<vmem>>) semaphore(%arg21 : memref<!tpu.dma_semaphore, #tpu.memory_space<semaphore_mem>>)
      %dma_start3A_127 = arith.constant 0 : i32
      %dma_start3A_128 = arith.constant 0 : i32
      %dma_start3A_129 = tpu.memref_slice %arg5[%dma_start3A_127, %dma_start3A_128] : memref<10240x16xf32, #tpu.memory_space<hbm>> -> memref<10240x16xf32, #tpu.memory_space<hbm>>
      tpu.enqueue_indirect_dma source(%dma_start3A_129 : memref<10240x16xf32, #tpu.memory_space<hbm>>) target(%arg12 : memref<128x16xf32, #tpu.memory_space<vmem>>) offsets(%arg10 : memref<128xi32, #tpu.memory_space<vmem>>) semaphore(%arg21 : memref<!tpu.dma_semaphore, #tpu.memory_space<semaphore_mem>>)
      %dma_start3A_130 = arith.constant 0 : i32
      %dma_start3A_131 = arith.constant 0 : i32
      %dma_start3A_132 = tpu.memref_slice %arg6[%dma_start3A_130, %dma_start3A_131] : memref<10240x16xf32, #tpu.memory_space<hbm>> -> memref<10240x16xf32, #tpu.memory_space<hbm>>
      tpu.enqueue_indirect_dma source(%dma_start3A_132 : memref<10240x16xf32, #tpu.memory_space<hbm>>) target(%arg13 : memref<128x16xf32, #tpu.memory_space<vmem>>) offsets(%arg9 : memref<128xi32, #tpu.memory_space<vmem>>) semaphore(%arg21 : memref<!tpu.dma_semaphore, #tpu.memory_space<semaphore_mem>>)
      %dma_wait3A_133 = arith.constant 0 : i32
      %dma_wait3A_134 = arith.constant 0 : i32
      %dma_wait3A_135 = tpu.memref_slice %arg4[%dma_wait3A_133, %dma_wait3A_134] : memref<10240x16xf32, #tpu.memory_space<hbm>> -> memref<128x16xf32, #tpu.memory_space<hbm>>
      %dma_wait3A_136 = arith.constant 0 : i32
      %dma_wait3A_137 = arith.constant 0 : i32
      %dma_wait3A_138 = tpu.memref_slice %arg4[%dma_wait3A_136, %dma_wait3A_137] : memref<10240x16xf32, #tpu.memory_space<hbm>> -> memref<128x16xf32, #tpu.memory_space<hbm>>
      tpu.wait_dma2 semaphore(%arg22 : memref<!tpu.dma_semaphore, #tpu.memory_space<semaphore_mem>>) src(%dma_wait3A_138 : memref<128x16xf32, #tpu.memory_space<hbm>>) dst(%arg16 : memref<128x16xf32, #tpu.memory_space<vmem>>)
      %dma_wait3A_139 = arith.constant 0 : i32
      %dma_wait3A_140 = arith.constant 0 : i32
      %dma_wait3A_141 = tpu.memref_slice %arg5[%dma_wait3A_139, %dma_wait3A_140] : memref<10240x16xf32, #tpu.memory_space<hbm>> -> memref<128x16xf32, #tpu.memory_space<hbm>>
      %dma_wait3A_142 = arith.constant 0 : i32
      %dma_wait3A_143 = arith.constant 0 : i32
      %dma_wait3A_144 = tpu.memref_slice %arg5[%dma_wait3A_142, %dma_wait3A_143] : memref<10240x16xf32, #tpu.memory_space<hbm>> -> memref<128x16xf32, #tpu.memory_space<hbm>>
      tpu.wait_dma2 semaphore(%arg22 : memref<!tpu.dma_semaphore, #tpu.memory_space<semaphore_mem>>) src(%dma_wait3A_144 : memref<128x16xf32, #tpu.memory_space<hbm>>) dst(%arg17 : memref<128x16xf32, #tpu.memory_space<vmem>>)
      %dma_wait3A_145 = arith.constant 0 : i32
      %dma_wait3A_146 = arith.constant 0 : i32
      %dma_wait3A_147 = tpu.memref_slice %arg6[%dma_wait3A_145, %dma_wait3A_146] : memref<10240x16xf32, #tpu.memory_space<hbm>> -> memref<128x16xf32, #tpu.memory_space<hbm>>
      %dma_wait3A_148 = arith.constant 0 : i32
      %dma_wait3A_149 = arith.constant 0 : i32
      %dma_wait3A_150 = tpu.memref_slice %arg6[%dma_wait3A_148, %dma_wait3A_149] : memref<10240x16xf32, #tpu.memory_space<hbm>> -> memref<128x16xf32, #tpu.memory_space<hbm>>
      tpu.wait_dma2 semaphore(%arg22 : memref<!tpu.dma_semaphore, #tpu.memory_space<semaphore_mem>>) src(%dma_wait3A_150 : memref<128x16xf32, #tpu.memory_space<hbm>>) dst(%arg18 : memref<128x16xf32, #tpu.memory_space<vmem>>)
      %scan3A_151 = arith.constant 0 : i32
      %scan3A_152 = arith.constant 0 : i32
      %scan3A_153 = arith.constant 128 : i32
      %scan3A_154 = arith.addi %scan3A_152, %scan3A_153 : i32
      %scan3A_155 = arith.constant 1 : i32
      scf.for %scan3A_157 = %scan3A_152 to %scan3A_154 step %scan3A_155  : i32 {
        %get3A = arith.index_cast %scan3A_157 : i32 to index
        %get3A_158 = arith.constant 0 : index
        %get3A_159 = tpu.vector_load %arg16[%get3A, %get3A_158] {strides = array<i32>} : memref<128x16xf32, #tpu.memory_space<vmem>>, vector<1x16xf32>,
        %get3A_160 = vector.shape_cast %get3A_159 : vector<1x16xf32> to vector<16xf32>
        %get3A_161 = arith.index_cast %scan3A_157 : i32 to index
        %get3A_162 = arith.constant 0 : index
        %get3A_163 = tpu.vector_load %arg17[%get3A_161, %get3A_162] {strides = array<i32>} : memref<128x16xf32, #tpu.memory_space<vmem>>, vector<1x16xf32>,
        %get3A_164 = vector.shape_cast %get3A_163 : vector<1x16xf32> to vector<16xf32>
        %add3A_165 = arith.addf %get3A_160, %get3A_164 : vector<16xf32>
        %mul3A_166 = arith.constant 2.000000e-01 : f32
        %mul3A_167 = vector.broadcast %mul3A_166 : f32 to vector<16xf32>
        %mul3A_168 = arith.mulf %add3A_165, %mul3A_167 : vector<16xf32>
        %max3A = arith.maximumf %add3A_165, %mul3A_168 : vector<16xf32>
        %exp3A = math.exp %max3A : vector<16xf32>
        %slice3A = vector.extract_strided_slice %exp3A {offsets = [0], sizes = [1], strides = [1]} : vector<16xf32> to vector<1xf32>
        %squeeze3A = vector.extract %slice3A[0] : f32 from vector<1xf32>
        %broadcast_in_dim3A = vector.broadcast %squeeze3A : f32 to vector<16xf32>
        %get3A_169 = arith.index_cast %scan3A_157 : i32 to index
        %get3A_170 = arith.constant 0 : index
        %get3A_171 = tpu.vector_load %arg18[%get3A_169, %get3A_170] {strides = array<i32>} : memref<128x16xf32, #tpu.memory_space<vmem>>, vector<1x16xf32>,
        %get3A_172 = vector.shape_cast %get3A_171 : vector<1x16xf32> to vector<16xf32>
        %mul3A_173 = arith.mulf %broadcast_in_dim3A, %get3A_172 : vector<16xf32>
        %swap3A = arith.index_cast %scan3A_157 : i32 to index
        %swap3A_174 = arith.constant 0 : index
        %swap3A_175 = tpu.vector_load %arg19[%swap3A, %swap3A_174] {strides = array<i32>} : memref<128x16xf32, #tpu.memory_space<vmem>>, vector<1x16xf32>,
        %swap3A_176 = vector.shape_cast %swap3A_175 : vector<1x16xf32> to vector<16xf32>
        %swap3A_177 = vector.shape_cast %mul3A_173 : vector<16xf32> to vector<1x16xf32>
        tpu.vector_store %arg19[%swap3A, %swap3A_174], %swap3A_177 {strides = array<i32>} : memref<128x16xf32, #tpu.memory_space<vmem>>, vector<1x16xf32>,
      }
      %scan3A_156 = arith.constant 128 : i32
      "tpu.region"() ({
        %run_scoped3A = tpu.sem_alloc : memref<!tpu.dma_semaphore, #tpu.memory_space<semaphore_mem>>
        %dma_start3A_157 = arith.constant 0 : i32
        %dma_start3A_158 = arith.constant 0 : i32
        %dma_start3A_159 = tpu.memref_slice %arg20[%dma_start3A_157, %dma_start3A_158] : memref<10240x16xf32, #tpu.memory_space<vmem_shared>> -> memref<10240x16xf32, #tpu.memory_space<vmem_shared>>
        tpu.enqueue_indirect_dma source(%arg19 : memref<128x16xf32, #tpu.memory_space<vmem>>) target(%dma_start3A_159 : memref<10240x16xf32, #tpu.memory_space<vmem_shared>>) offsets(%arg15 : memref<128xi32, #tpu.memory_space<vmem>>) semaphore(%run_scoped3A : memref<!tpu.dma_semaphore, #tpu.memory_space<semaphore_mem>>) {add = true}
        %dma_wait3A_160 = arith.constant 0 : i32
        %dma_wait3A_161 = arith.constant 0 : i32
        %dma_wait3A_162 = tpu.memref_slice %arg20[%dma_wait3A_160, %dma_wait3A_161] : memref<10240x16xf32, #tpu.memory_space<vmem_shared>> -> memref<10240x16xf32, #tpu.memory_space<vmem_shared>>
        tpu.wait_indirect_dma semaphore(%run_scoped3A : memref<!tpu.dma_semaphore, #tpu.memory_space<semaphore_mem>>) src(%arg19 : memref<128x16xf32, #tpu.memory_space<vmem>>) dst(%dma_wait3A_162 : memref<10240x16xf32, #tpu.memory_space<vmem_shared>>)
        tpu.yield
      }) : () -> ()
    }
    %scan3A_28 = arith.constant 39 : i32
    %dma_wait3A_29 = arith.constant 0 : i32
    %dma_wait3A_30 = arith.constant 0 : i32
    %dma_wait3A_31 = tpu.memref_slice %arg4[%dma_wait3A_29, %dma_wait3A_30] : memref<10240x16xf32, #tpu.memory_space<hbm>> -> memref<128x16xf32, #tpu.memory_space<hbm>>
    %dma_wait3A_32 = arith.constant 0 : i32
    %dma_wait3A_33 = arith.constant 0 : i32
    %dma_wait3A_34 = tpu.memref_slice %arg4[%dma_wait3A_32, %dma_wait3A_33] : memref<10240x16xf32, #tpu.memory_space<hbm>> -> memref<128x16xf32, #tpu.memory_space<hbm>>
    tpu.wait_dma2 semaphore(%arg21 : memref<!tpu.dma_semaphore, #tpu.memory_space<semaphore_mem>>) src(%dma_wait3A_34 : memref<128x16xf32, #tpu.memory_space<hbm>>) dst(%arg11 : memref<128x16xf32, #tpu.memory_space<vmem>>)
    %dma_wait3A_35 = arith.constant 0 : i32
    %dma_wait3A_36 = arith.constant 0 : i32
    %dma_wait3A_37 = tpu.memref_slice %arg5[%dma_wait3A_35, %dma_wait3A_36] : memref<10240x16xf32, #tpu.memory_space<hbm>> -> memref<128x16xf32, #tpu.memory_space<hbm>>
    %dma_wait3A_38 = arith.constant 0 : i32
    %dma_wait3A_39 = arith.constant 0 : i32
    %dma_wait3A_40 = tpu.memref_slice %arg5[%dma_wait3A_38, %dma_wait3A_39] : memref<10240x16xf32, #tpu.memory_space<hbm>> -> memref<128x16xf32, #tpu.memory_space<hbm>>
    tpu.wait_dma2 semaphore(%arg21 : memref<!tpu.dma_semaphore, #tpu.memory_space<semaphore_mem>>) src(%dma_wait3A_40 : memref<128x16xf32, #tpu.memory_space<hbm>>) dst(%arg12 : memref<128x16xf32, #tpu.memory_space<vmem>>)
    %dma_wait3A_41 = arith.constant 0 : i32
    %dma_wait3A_42 = arith.constant 0 : i32
    %dma_wait3A_43 = tpu.memref_slice %arg6[%dma_wait3A_41, %dma_wait3A_42] : memref<10240x16xf32, #tpu.memory_space<hbm>> -> memref<128x16xf32, #tpu.memory_space<hbm>>
    %dma_wait3A_44 = arith.constant 0 : i32
    %dma_wait3A_45 = arith.constant 0 : i32
    %dma_wait3A_46 = tpu.memref_slice %arg6[%dma_wait3A_44, %dma_wait3A_45] : memref<10240x16xf32, #tpu.memory_space<hbm>> -> memref<128x16xf32, #tpu.memory_space<hbm>>
    tpu.wait_dma2 semaphore(%arg21 : memref<!tpu.dma_semaphore, #tpu.memory_space<semaphore_mem>>) src(%dma_wait3A_46 : memref<128x16xf32, #tpu.memory_space<hbm>>) dst(%arg13 : memref<128x16xf32, #tpu.memory_space<vmem>>)
    %scan3A_47 = arith.constant 0 : i32
    %scan3A_48 = arith.constant 0 : i32
    %scan3A_49 = arith.constant 128 : i32
    %scan3A_50 = arith.addi %scan3A_48, %scan3A_49 : i32
    %scan3A_51 = arith.constant 1 : i32
    scf.for %scan3A_58 = %scan3A_48 to %scan3A_50 step %scan3A_51  : i32 {
      %get3A = arith.index_cast %scan3A_58 : i32 to index
      %get3A_59 = arith.constant 0 : index
      %get3A_60 = tpu.vector_load %arg11[%get3A, %get3A_59] {strides = array<i32>} : memref<128x16xf32, #tpu.memory_space<vmem>>, vector<1x16xf32>,
      %get3A_61 = vector.shape_cast %get3A_60 : vector<1x16xf32> to vector<16xf32>
      %get3A_62 = arith.index_cast %scan3A_58 : i32 to index
      %get3A_63 = arith.constant 0 : index
      %get3A_64 = tpu.vector_load %arg12[%get3A_62, %get3A_63] {strides = array<i32>} : memref<128x16xf32, #tpu.memory_space<vmem>>, vector<1x16xf32>,
      %get3A_65 = vector.shape_cast %get3A_64 : vector<1x16xf32> to vector<16xf32>
      %add3A_66 = arith.addf %get3A_61, %get3A_65 : vector<16xf32>
      %mul3A_67 = arith.constant 2.000000e-01 : f32
      %mul3A_68 = vector.broadcast %mul3A_67 : f32 to vector<16xf32>
      %mul3A_69 = arith.mulf %add3A_66, %mul3A_68 : vector<16xf32>
      %max3A = arith.maximumf %add3A_66, %mul3A_69 : vector<16xf32>
      %exp3A = math.exp %max3A : vector<16xf32>
      %slice3A = vector.extract_strided_slice %exp3A {offsets = [0], sizes = [1], strides = [1]} : vector<16xf32> to vector<1xf32>
      %squeeze3A = vector.extract %slice3A[0] : f32 from vector<1xf32>
      %broadcast_in_dim3A = vector.broadcast %squeeze3A : f32 to vector<16xf32>
      %get3A_70 = arith.index_cast %scan3A_58 : i32 to index
      %get3A_71 = arith.constant 0 : index
      %get3A_72 = tpu.vector_load %arg13[%get3A_70, %get3A_71] {strides = array<i32>} : memref<128x16xf32, #tpu.memory_space<vmem>>, vector<1x16xf32>,
      %get3A_73 = vector.shape_cast %get3A_72 : vector<1x16xf32> to vector<16xf32>
      %mul3A_74 = arith.mulf %broadcast_in_dim3A, %get3A_73 : vector<16xf32>
      %swap3A = arith.index_cast %scan3A_58 : i32 to index
      %swap3A_75 = arith.constant 0 : index
      %swap3A_76 = tpu.vector_load %arg19[%swap3A, %swap3A_75] {strides = array<i32>} : memref<128x16xf32, #tpu.memory_space<vmem>>, vector<1x16xf32>,
      %swap3A_77 = vector.shape_cast %swap3A_76 : vector<1x16xf32> to vector<16xf32>
      %swap3A_78 = vector.shape_cast %mul3A_74 : vector<16xf32> to vector<1x16xf32>
      tpu.vector_store %arg19[%swap3A, %swap3A_75], %swap3A_78 {strides = array<i32>} : memref<128x16xf32, #tpu.memory_space<vmem>>, vector<1x16xf32>,
    }
    %scan3A_52 = arith.constant 128 : i32
    "tpu.region"() ({
      %run_scoped3A = tpu.sem_alloc : memref<!tpu.dma_semaphore, #tpu.memory_space<semaphore_mem>>
      %dma_start3A_58 = arith.constant 0 : i32
      %dma_start3A_59 = arith.constant 0 : i32
      %dma_start3A_60 = tpu.memref_slice %arg20[%dma_start3A_58, %dma_start3A_59] : memref<10240x16xf32, #tpu.memory_space<vmem_shared>> -> memref<10240x16xf32, #tpu.memory_space<vmem_shared>>
      tpu.enqueue_indirect_dma source(%arg19 : memref<128x16xf32, #tpu.memory_space<vmem>>) target(%dma_start3A_60 : memref<10240x16xf32, #tpu.memory_space<vmem_shared>>) offsets(%arg10 : memref<128xi32, #tpu.memory_space<vmem>>) semaphore(%run_scoped3A : memref<!tpu.dma_semaphore, #tpu.memory_space<semaphore_mem>>) {add = true}
      %dma_wait3A_61 = arith.constant 0 : i32
      %dma_wait3A_62 = arith.constant 0 : i32
      %dma_wait3A_63 = tpu.memref_slice %arg20[%dma_wait3A_61, %dma_wait3A_62] : memref<10240x16xf32, #tpu.memory_space<vmem_shared>> -> memref<10240x16xf32, #tpu.memory_space<vmem_shared>>
      tpu.wait_indirect_dma semaphore(%run_scoped3A : memref<!tpu.dma_semaphore, #tpu.memory_space<semaphore_mem>>) src(%arg19 : memref<128x16xf32, #tpu.memory_space<vmem>>) dst(%dma_wait3A_63 : memref<10240x16xf32, #tpu.memory_space<vmem_shared>>)
      tpu.yield
    }) : () -> ()
    %barrier3A_53 = arith.constant 0 : index
    tpu.barrier barrier_id(%barrier3A_53)
    %mul3A_54 = arith.constant 640 : i32
    %mul3A_55 = arith.muli %arg1, %mul3A_54 : i32
    %mul3A_56 = arith.constant 640 : i32
    %mul3A_57 = arith.muli %arg1, %mul3A_56 : i32
    "tpu.region"() ({
      %run_scoped3A = tpu.sem_alloc : memref<!tpu.dma_semaphore, #tpu.memory_space<semaphore_mem>>
      %dma_start3A_58 = arith.constant 0 : i32
      %dma_start3A_59 = tpu.memref_slice %arg8[%arg0, %mul3A_57, %dma_start3A_58] : memref<2x10240x16xf32, #tpu.memory_space<hbm>> -> memref<1x640x16xf32, #tpu.memory_space<hbm>>
      %dma_start3A_60 = tpu.memref_squeeze %dma_start3A_59 : memref<1x640x16xf32, #tpu.memory_space<hbm>> -> memref<640x16xf32, #tpu.memory_space<hbm>>
      %dma_start3A_61 = arith.constant 0 : i32
      %dma_start3A_62 = tpu.memref_slice %arg20[%mul3A_55, %dma_start3A_61] : memref<10240x16xf32, #tpu.memory_space<vmem_shared>> -> memref<640x16xf32, #tpu.memory_space<vmem_shared>>
      tpu.enqueue_dma source(%dma_start3A_62 : memref<640x16xf32, #tpu.memory_space<vmem_shared>>) target(%dma_start3A_60 : memref<640x16xf32, #tpu.memory_space<hbm>>) target_semaphore(%run_scoped3A : memref<!tpu.dma_semaphore, #tpu.memory_space<semaphore_mem>>)
      %dma_wait3A_63 = arith.constant 0 : i32
      %dma_wait3A_64 = tpu.memref_slice %arg8[%arg0, %mul3A_57, %dma_wait3A_63] : memref<2x10240x16xf32, #tpu.memory_space<hbm>> -> memref<1x640x16xf32, #tpu.memory_space<hbm>>
      %dma_wait3A_65 = tpu.memref_squeeze %dma_wait3A_64 : memref<1x640x16xf32, #tpu.memory_space<hbm>> -> memref<640x16xf32, #tpu.memory_space<hbm>>
      %dma_wait3A_66 = arith.constant 0 : i32
      %dma_wait3A_67 = tpu.memref_slice %arg20[%mul3A_55, %dma_wait3A_66] : memref<10240x16xf32, #tpu.memory_space<vmem_shared>> -> memref<640x16xf32, #tpu.memory_space<vmem_shared>>
      tpu.wait_dma2 semaphore(%run_scoped3A : memref<!tpu.dma_semaphore, #tpu.memory_space<semaphore_mem>>) src(%dma_wait3A_67 : memref<640x16xf32, #tpu.memory_space<vmem_shared>>) dst(%dma_wait3A_65 : memref<640x16xf32, #tpu.memory_space<hbm>>)
      tpu.yield
    }) : () -> ()
    return
  }
}

module attributes {stable_mosaic.version = 14 : i64} {
  func.func @body(%arg0: i32, %arg1: memref<1024x128xf32, #tpu.memory_space<vmem>>, %arg2: memref<128x64xf32, #tpu.memory_space<vmem>>, %arg3: memref<64x16xf32, #tpu.memory_space<vmem>>, %arg4: memref<64x16xf32, #tpu.memory_space<vmem>>, %arg5: memref<1024x16xf32, #tpu.memory_space<vmem>>, %arg6: memref<1024x16xf32, #tpu.memory_space<vmem>>, %arg7: memref<1024x64xf32, #tpu.memory_space<vmem>>) attributes {dimension_semantics = [#tpu.dimension_semantics<arbitrary>], iteration_bounds = array<i64: 10>, scalar_prefetch = 0 : i64, scratch_operands = 0 : i64, tpu.core_type = #tpu.core_type<tc>, window_params = [{transform_indices = @transform_0, window_bounds = array<i64: 1024, 128>}, {pipeline_mode = #tpu.pipeline_mode<synchronous>, transform_indices = @transform_1, window_bounds = array<i64: 128, 64>}, {pipeline_mode = #tpu.pipeline_mode<synchronous>, transform_indices = @transform_2, window_bounds = array<i64: 64, 16>}, {pipeline_mode = #tpu.pipeline_mode<synchronous>, transform_indices = @transform_3, window_bounds = array<i64: 64, 16>}, {transform_indices = @transform_4, window_bounds = array<i64: 1024, 16>}, {transform_indices = @transform_5, window_bounds = array<i64: 1024, 16>}, {transform_indices = @transform_6, window_bounds = array<i64: 1024, 64>}]} {
    %get3A = arith.constant 0 : index
    %get3A_0 = arith.constant 0 : index
    %get3A_1 = vector.load %arg1[%get3A, %get3A_0] : memref<1024x128xf32, #tpu.memory_space<vmem>>, vector<1024x128xf32>
    %get3A_2 = arith.constant 0 : index
    %get3A_3 = arith.constant 0 : index
    %get3A_4 = vector.load %arg2[%get3A_2, %get3A_3] : memref<128x64xf32, #tpu.memory_space<vmem>>, vector<128x64xf32>
    %dot_general3A = arith.constant dense<0.000000e+00> : vector<1024x64xf32>
    %dot_general3A_5 = tpu.matmul %get3A_1, %get3A_4, %dot_general3A {dimension_numbers = #tpu.dot_dimension_numbers<[1], [0], [0], [1], [0, 0, 1, 1], [], []>, transpose_lhs_hint = false} : vector<1024x128xf32>, vector<128x64xf32>, vector<1024x64xf32> -> vector<1024x64xf32>
    %swap3A = arith.constant 0 : index
    %swap3A_6 = arith.constant 0 : index
    %swap3A_7 = vector.load %arg7[%swap3A, %swap3A_6] : memref<1024x64xf32, #tpu.memory_space<vmem>>, vector<1024x64xf32>
    tpu.vector_store %arg7[%swap3A, %swap3A_6], %dot_general3A_5 {strides = array<i32>} : memref<1024x64xf32, #tpu.memory_space<vmem>>, vector<1024x64xf32>,
    %get3A_8 = arith.constant 0 : index
    %get3A_9 = arith.constant 0 : index
    %get3A_10 = vector.load %arg3[%get3A_8, %get3A_9] : memref<64x16xf32, #tpu.memory_space<vmem>>, vector<64x16xf32>
    %dot_general3A_11 = arith.constant dense<0.000000e+00> : vector<1024x16xf32>
    %dot_general3A_12 = tpu.matmul %dot_general3A_5, %get3A_10, %dot_general3A_11 {dimension_numbers = #tpu.dot_dimension_numbers<[1], [0], [0], [1], [0, 0, 1, 1], [], []>, transpose_lhs_hint = false} : vector<1024x64xf32>, vector<64x16xf32>, vector<1024x16xf32> -> vector<1024x16xf32>
    %swap3A_13 = arith.constant 0 : index
    %swap3A_14 = arith.constant 0 : index
    %swap3A_15 = vector.load %arg5[%swap3A_13, %swap3A_14] : memref<1024x16xf32, #tpu.memory_space<vmem>>, vector<1024x16xf32>
    tpu.vector_store %arg5[%swap3A_13, %swap3A_14], %dot_general3A_12 {strides = array<i32>} : memref<1024x16xf32, #tpu.memory_space<vmem>>, vector<1024x16xf32>,
    %get3A_16 = arith.constant 0 : index
    %get3A_17 = arith.constant 0 : index
    %get3A_18 = vector.load %arg4[%get3A_16, %get3A_17] : memref<64x16xf32, #tpu.memory_space<vmem>>, vector<64x16xf32>
    %dot_general3A_19 = arith.constant dense<0.000000e+00> : vector<1024x16xf32>
    %dot_general3A_20 = tpu.matmul %dot_general3A_5, %get3A_18, %dot_general3A_19 {dimension_numbers = #tpu.dot_dimension_numbers<[1], [0], [0], [1], [0, 0, 1, 1], [], []>, transpose_lhs_hint = false} : vector<1024x64xf32>, vector<64x16xf32>, vector<1024x16xf32> -> vector<1024x16xf32>
    %swap3A_21 = arith.constant 0 : index
    %swap3A_22 = arith.constant 0 : index
    %swap3A_23 = vector.load %arg6[%swap3A_21, %swap3A_22] : memref<1024x16xf32, #tpu.memory_space<vmem>>, vector<1024x16xf32>
    tpu.vector_store %arg6[%swap3A_21, %swap3A_22], %dot_general3A_20 {strides = array<i32>} : memref<1024x16xf32, #tpu.memory_space<vmem>>, vector<1024x16xf32>,
    return
  }
  func.func @transform_0(%arg0: i32) -> (i32, i32) {
    %c0_i32 = arith.constant 0 : i32
    %c0_i32_0 = arith.constant 0 : i32
    return %arg0, %c0_i32 : i32, i32
  }
  func.func @transform_1(%arg0: i32) -> (i32, i32) {
    %c0_i32 = arith.constant 0 : i32
    %c0_i32_0 = arith.constant 0 : i32
    %c0_i32_1 = arith.constant 0 : i32
    return %c0_i32, %c0_i32_0 : i32, i32
  }
  func.func @transform_2(%arg0: i32) -> (i32, i32) {
    %c0_i32 = arith.constant 0 : i32
    %c0_i32_0 = arith.constant 0 : i32
    %c0_i32_1 = arith.constant 0 : i32
    return %c0_i32, %c0_i32_0 : i32, i32
  }
  func.func @transform_3(%arg0: i32) -> (i32, i32) {
    %c0_i32 = arith.constant 0 : i32
    %c0_i32_0 = arith.constant 0 : i32
    %c0_i32_1 = arith.constant 0 : i32
    return %c0_i32, %c0_i32_0 : i32, i32
  }
  func.func @transform_4(%arg0: i32) -> (i32, i32) {
    %c0_i32 = arith.constant 0 : i32
    %c0_i32_0 = arith.constant 0 : i32
    return %arg0, %c0_i32 : i32, i32
  }
  func.func @transform_5(%arg0: i32) -> (i32, i32) {
    %c0_i32 = arith.constant 0 : i32
    %c0_i32_0 = arith.constant 0 : i32
    return %arg0, %c0_i32 : i32, i32
  }
  func.func @transform_6(%arg0: i32) -> (i32, i32) {
    %c0_i32 = arith.constant 0 : i32
    %c0_i32_0 = arith.constant 0 : i32
    return %arg0, %c0_i32 : i32, i32
  }
}

module attributes {stable_mosaic.version = 14 : i64} {
  func.func @body(%arg0: i32, %arg1: memref<2x1024x64xf32, #tpu.memory_space<vmem>>, %arg2: memref<2x1024x16xf32, #tpu.memory_space<vmem>>, %arg3: memref<16x64xf32, #tpu.memory_space<vmem>>, %arg4: memref<1x64xf32, #tpu.memory_space<vmem>>, %arg5: memref<64x16xf32, #tpu.memory_space<vmem>>, %arg6: memref<64x16xf32, #tpu.memory_space<vmem>>, %arg7: memref<64x16xf32, #tpu.memory_space<vmem>>, %arg8: memref<1024x16xf32, #tpu.memory_space<vmem>>, %arg9: memref<1024x16xf32, #tpu.memory_space<vmem>>, %arg10: memref<1024x16xf32, #tpu.memory_space<vmem>>) attributes {dimension_semantics = [#tpu.dimension_semantics<arbitrary>], iteration_bounds = array<i64: 10>, scalar_prefetch = 0 : i64, scratch_operands = 0 : i64, tpu.core_type = #tpu.core_type<tc>, window_params = [{transform_indices = @transform_0, window_bounds = array<i64: 2, 1024, 64>}, {transform_indices = @transform_1, window_bounds = array<i64: 2, 1024, 16>}, {pipeline_mode = #tpu.pipeline_mode<synchronous>, transform_indices = @transform_2, window_bounds = array<i64: 16, 64>}, {pipeline_mode = #tpu.pipeline_mode<synchronous>, transform_indices = @transform_3, window_bounds = array<i64: 1, 64>}, {pipeline_mode = #tpu.pipeline_mode<synchronous>, transform_indices = @transform_4, window_bounds = array<i64: 64, 16>}, {pipeline_mode = #tpu.pipeline_mode<synchronous>, transform_indices = @transform_5, window_bounds = array<i64: 64, 16>}, {pipeline_mode = #tpu.pipeline_mode<synchronous>, transform_indices = @transform_6, window_bounds = array<i64: 64, 16>}, {transform_indices = @transform_7, window_bounds = array<i64: 1024, 16>}, {transform_indices = @transform_8, window_bounds = array<i64: 1024, 16>}, {transform_indices = @transform_9, window_bounds = array<i64: 1024, 16>}]} {
    %get3A = arith.constant 0 : index
    %get3A_0 = arith.constant 0 : index
    %get3A_1 = arith.constant 0 : index
    %get3A_2 = vector.load %arg1[%get3A, %get3A_0, %get3A_1] : memref<2x1024x64xf32, #tpu.memory_space<vmem>>, vector<1x1024x64xf32>
    %get3A_3 = vector.shape_cast %get3A_2 : vector<1x1024x64xf32> to vector<1024x64xf32>
    %get3A_4 = arith.constant 1 : index
    %get3A_5 = arith.constant 0 : index
    %get3A_6 = arith.constant 0 : index
    %get3A_7 = vector.load %arg1[%get3A_4, %get3A_5, %get3A_6] : memref<2x1024x64xf32, #tpu.memory_space<vmem>>, vector<1x1024x64xf32>
    %get3A_8 = vector.shape_cast %get3A_7 : vector<1x1024x64xf32> to vector<1024x64xf32>
    %add3A = arith.addf %get3A_3, %get3A_8 : vector<1024x64xf32>
    %get3A_9 = arith.constant 0 : index
    %get3A_10 = arith.constant 0 : index
    %get3A_11 = arith.constant 0 : index
    %get3A_12 = vector.load %arg2[%get3A_9, %get3A_10, %get3A_11] : memref<2x1024x16xf32, #tpu.memory_space<vmem>>, vector<1x1024x16xf32>
    %get3A_13 = vector.shape_cast %get3A_12 : vector<1x1024x16xf32> to vector<1024x16xf32>
    %get3A_14 = arith.constant 1 : index
    %get3A_15 = arith.constant 0 : index
    %get3A_16 = arith.constant 0 : index
    %get3A_17 = vector.load %arg2[%get3A_14, %get3A_15, %get3A_16] : memref<2x1024x16xf32, #tpu.memory_space<vmem>>, vector<1x1024x16xf32>
    %get3A_18 = vector.shape_cast %get3A_17 : vector<1x1024x16xf32> to vector<1024x16xf32>
    %add3A_19 = arith.addf %get3A_13, %get3A_18 : vector<1024x16xf32>
    %get3A_20 = arith.constant 0 : index
    %get3A_21 = arith.constant 0 : index
    %get3A_22 = vector.load %arg3[%get3A_20, %get3A_21] : memref<16x64xf32, #tpu.memory_space<vmem>>, vector<16x64xf32>
    %dot_general3A = arith.constant dense<0.000000e+00> : vector<1024x64xf32>
    %dot_general3A_23 = tpu.matmul %add3A_19, %get3A_22, %dot_general3A {dimension_numbers = #tpu.dot_dimension_numbers<[1], [0], [0], [1], [0, 0, 1, 1], [], []>, transpose_lhs_hint = false} : vector<1024x16xf32>, vector<16x64xf32>, vector<1024x64xf32> -> vector<1024x64xf32>
    %add3A_24 = arith.constant 1.000000e-16 : f32
    %add3A_25 = vector.broadcast %add3A_24 : f32 to vector<1024x64xf32>
    %add3A_26 = arith.addf %dot_general3A_23, %add3A_25 : vector<1024x64xf32>
    %div3A = arith.divf %add3A, %add3A_26 : vector<1024x64xf32>
    %get3A_27 = arith.constant 0 : index
    %get3A_28 = arith.constant 0 : index
    %get3A_29 = vector.load %arg4[%get3A_27, %get3A_28] : memref<1x64xf32, #tpu.memory_space<vmem>>, vector<1x64xf32>
    %add3A_30 = vector.broadcast %get3A_29 : vector<1x64xf32> to vector<1024x64xf32>
    %add3A_31 = arith.addf %div3A, %add3A_30 : vector<1024x64xf32>
    %gt3A = arith.constant 0.000000e+00 : f32
    %gt3A_32 = vector.broadcast %gt3A : f32 to vector<1024x64xf32>
    %gt3A_33 = arith.cmpf ogt, %add3A_31, %gt3A_32 : vector<1024x64xf32>
    %exp3A = math.exp %add3A_31 : vector<1024x64xf32>
    %sub3A = arith.constant 1.000000e+00 : f32
    %sub3A_34 = vector.broadcast %sub3A : f32 to vector<1024x64xf32>
    %sub3A_35 = arith.subf %exp3A, %sub3A_34 : vector<1024x64xf32>
    %select_n3A = arith.select %gt3A_33, %add3A_31, %sub3A_35 : vector<1024x64xi1>, vector<1024x64xf32>
    %get3A_36 = arith.constant 0 : index
    %get3A_37 = arith.constant 0 : index
    %get3A_38 = vector.load %arg5[%get3A_36, %get3A_37] : memref<64x16xf32, #tpu.memory_space<vmem>>, vector<64x16xf32>
    %dot_general3A_39 = arith.constant dense<0.000000e+00> : vector<1024x16xf32>
    %dot_general3A_40 = tpu.matmul %select_n3A, %get3A_38, %dot_general3A_39 {dimension_numbers = #tpu.dot_dimension_numbers<[1], [0], [0], [1], [0, 0, 1, 1], [], []>, transpose_lhs_hint = false} : vector<1024x64xf32>, vector<64x16xf32>, vector<1024x16xf32> -> vector<1024x16xf32>
    %swap3A = arith.constant 0 : index
    %swap3A_41 = arith.constant 0 : index
    %swap3A_42 = vector.load %arg8[%swap3A, %swap3A_41] : memref<1024x16xf32, #tpu.memory_space<vmem>>, vector<1024x16xf32>
    tpu.vector_store %arg8[%swap3A, %swap3A_41], %dot_general3A_40 {strides = array<i32>} : memref<1024x16xf32, #tpu.memory_space<vmem>>, vector<1024x16xf32>,
    %get3A_43 = arith.constant 0 : index
    %get3A_44 = arith.constant 0 : index
    %get3A_45 = vector.load %arg6[%get3A_43, %get3A_44] : memref<64x16xf32, #tpu.memory_space<vmem>>, vector<64x16xf32>
    %dot_general3A_46 = arith.constant dense<0.000000e+00> : vector<1024x16xf32>
    %dot_general3A_47 = tpu.matmul %select_n3A, %get3A_45, %dot_general3A_46 {dimension_numbers = #tpu.dot_dimension_numbers<[1], [0], [0], [1], [0, 0, 1, 1], [], []>, transpose_lhs_hint = false} : vector<1024x64xf32>, vector<64x16xf32>, vector<1024x16xf32> -> vector<1024x16xf32>
    %swap3A_48 = arith.constant 0 : index
    %swap3A_49 = arith.constant 0 : index
    %swap3A_50 = vector.load %arg9[%swap3A_48, %swap3A_49] : memref<1024x16xf32, #tpu.memory_space<vmem>>, vector<1024x16xf32>
    tpu.vector_store %arg9[%swap3A_48, %swap3A_49], %dot_general3A_47 {strides = array<i32>} : memref<1024x16xf32, #tpu.memory_space<vmem>>, vector<1024x16xf32>,
    %get3A_51 = arith.constant 0 : index
    %get3A_52 = arith.constant 0 : index
    %get3A_53 = vector.load %arg7[%get3A_51, %get3A_52] : memref<64x16xf32, #tpu.memory_space<vmem>>, vector<64x16xf32>
    %dot_general3A_54 = arith.constant dense<0.000000e+00> : vector<1024x16xf32>
    %dot_general3A_55 = tpu.matmul %select_n3A, %get3A_53, %dot_general3A_54 {dimension_numbers = #tpu.dot_dimension_numbers<[1], [0], [0], [1], [0, 0, 1, 1], [], []>, transpose_lhs_hint = false} : vector<1024x64xf32>, vector<64x16xf32>, vector<1024x16xf32> -> vector<1024x16xf32>
    %iota3A = tpu.iota {dimensions = array<i32: 1>} : vector<1024x16xi32>
    %eq3A = arith.constant 1 : i32
    %eq3A_56 = vector.broadcast %eq3A : i32 to vector<1024x16xi32>
    %eq3A_57 = arith.cmpi eq, %iota3A, %eq3A_56 : vector<1024x16xi32>
    %jit3A = arith.constant 1.000000e+00 : f32
    %broadcast_in_dim3A = vector.broadcast %jit3A : f32 to vector<1024x16xf32>
    %select_n3A_58 = arith.select %eq3A_57, %broadcast_in_dim3A, %dot_general3A_55 : vector<1024x16xi1>, vector<1024x16xf32>
    %swap3A_59 = arith.constant 0 : index
    %swap3A_60 = arith.constant 0 : index
    %swap3A_61 = vector.load %arg10[%swap3A_59, %swap3A_60] : memref<1024x16xf32, #tpu.memory_space<vmem>>, vector<1024x16xf32>
    tpu.vector_store %arg10[%swap3A_59, %swap3A_60], %select_n3A_58 {strides = array<i32>} : memref<1024x16xf32, #tpu.memory_space<vmem>>, vector<1024x16xf32>,
    return
  }
  func.func @transform_0(%arg0: i32) -> (i32, i32, i32) {
    %c0_i32 = arith.constant 0 : i32
    %c0_i32_0 = arith.constant 0 : i32
    %c0_i32_1 = arith.constant 0 : i32
    return %c0_i32, %arg0, %c0_i32_0 : i32, i32, i32
  }
  func.func @transform_1(%arg0: i32) -> (i32, i32, i32) {
    %c0_i32 = arith.constant 0 : i32
    %c0_i32_0 = arith.constant 0 : i32
    %c0_i32_1 = arith.constant 0 : i32
    return %c0_i32, %arg0, %c0_i32_0 : i32, i32, i32
  }
  func.func @transform_2(%arg0: i32) -> (i32, i32) {
    %c0_i32 = arith.constant 0 : i32
    %c0_i32_0 = arith.constant 0 : i32
    %c0_i32_1 = arith.constant 0 : i32
    return %c0_i32, %c0_i32_0 : i32, i32
  }
  func.func @transform_3(%arg0: i32) -> (i32, i32) {
    %c0_i32 = arith.constant 0 : i32
    %c0_i32_0 = arith.constant 0 : i32
    %c0_i32_1 = arith.constant 0 : i32
    return %c0_i32, %c0_i32_0 : i32, i32
  }
  func.func @transform_4(%arg0: i32) -> (i32, i32) {
    %c0_i32 = arith.constant 0 : i32
    %c0_i32_0 = arith.constant 0 : i32
    %c0_i32_1 = arith.constant 0 : i32
    return %c0_i32, %c0_i32_0 : i32, i32
  }
  func.func @transform_5(%arg0: i32) -> (i32, i32) {
    %c0_i32 = arith.constant 0 : i32
    %c0_i32_0 = arith.constant 0 : i32
    %c0_i32_1 = arith.constant 0 : i32
    return %c0_i32, %c0_i32_0 : i32, i32
  }
  func.func @transform_6(%arg0: i32) -> (i32, i32) {
    %c0_i32 = arith.constant 0 : i32
    %c0_i32_0 = arith.constant 0 : i32
    %c0_i32_1 = arith.constant 0 : i32
    return %c0_i32, %c0_i32_0 : i32, i32
  }
  func.func @transform_7(%arg0: i32) -> (i32, i32) {
    %c0_i32 = arith.constant 0 : i32
    %c0_i32_0 = arith.constant 0 : i32
    return %arg0, %c0_i32 : i32, i32
  }
  func.func @transform_8(%arg0: i32) -> (i32, i32) {
    %c0_i32 = arith.constant 0 : i32
    %c0_i32_0 = arith.constant 0 : i32
    return %arg0, %c0_i32 : i32, i32
  }
  func.func @transform_9(%arg0: i32) -> (i32, i32) {
    %c0_i32 = arith.constant 0 : i32
    %c0_i32_0 = arith.constant 0 : i32
    return %arg0, %c0_i32 : i32, i32
  }
}

module attributes {stable_mosaic.version = 14 : i64} {
  func.func @body(%arg0: i32, %arg1: memref<2x1024x16xf32, #tpu.memory_space<vmem>>, %arg2: memref<1x1xf32, #tpu.memory_space<vmem>>, %arg3: memref<1024x16xf32, #tpu.memory_space<vmem>>) attributes {dimension_semantics = [#tpu.dimension_semantics<arbitrary>], iteration_bounds = array<i64: 10>, scalar_prefetch = 0 : i64, scratch_operands = 0 : i64, tpu.core_type = #tpu.core_type<tc>, window_params = [{transform_indices = @transform_0, window_bounds = array<i64: 2, 1024, 16>}, {pipeline_mode = #tpu.pipeline_mode<synchronous>, transform_indices = @transform_1, window_bounds = array<i64: 1, 1>}, {transform_indices = @transform_2, window_bounds = array<i64: 1024, 16>}]} {
    %get3A = arith.constant 0 : index
    %get3A_0 = arith.constant 0 : index
    %get3A_1 = arith.constant 0 : index
    %get3A_2 = vector.load %arg1[%get3A, %get3A_0, %get3A_1] : memref<2x1024x16xf32, #tpu.memory_space<vmem>>, vector<1x1024x16xf32>
    %get3A_3 = vector.shape_cast %get3A_2 : vector<1x1024x16xf32> to vector<1024x16xf32>
    %get3A_4 = arith.constant 1 : index
    %get3A_5 = arith.constant 0 : index
    %get3A_6 = arith.constant 0 : index
    %get3A_7 = vector.load %arg1[%get3A_4, %get3A_5, %get3A_6] : memref<2x1024x16xf32, #tpu.memory_space<vmem>>, vector<1x1024x16xf32>
    %get3A_8 = vector.shape_cast %get3A_7 : vector<1x1024x16xf32> to vector<1024x16xf32>
    %add3A = arith.addf %get3A_3, %get3A_8 : vector<1024x16xf32>
    %slice3A = vector.extract_strided_slice %add3A {offsets = [0, 0], sizes = [1024, 1], strides = [1, 1]} : vector<1024x16xf32> to vector<1024x1xf32>
    %slice3A_9 = vector.extract_strided_slice %add3A {offsets = [0, 1], sizes = [1024, 1], strides = [1, 1]} : vector<1024x16xf32> to vector<1024x1xf32>
    %add3A_10 = arith.constant 1.000000e-16 : f32
    %add3A_11 = vector.broadcast %add3A_10 : f32 to vector<1024x1xf32>
    %add3A_12 = arith.addf %slice3A_9, %add3A_11 : vector<1024x1xf32>
    %div3A = arith.divf %slice3A, %add3A_12 : vector<1024x1xf32>
    %get3A_13 = arith.constant 0 : index
    %get3A_14 = arith.constant 0 : index
    %get3A_15 = vector.load %arg2[%get3A_13, %get3A_14] : memref<1x1xf32, #tpu.memory_space<vmem>>, vector<1x1xf32>
    %add3A_16 = vector.broadcast %get3A_15 : vector<1x1xf32> to vector<1024x1xf32>
    %add3A_17 = arith.addf %div3A, %add3A_16 : vector<1024x1xf32>
    %neg3A = arith.constant 0.000000e+00 : f32
    %neg3A_18 = vector.broadcast %neg3A : f32 to vector<1024x1xf32>
    %neg3A_19 = arith.subf %neg3A_18, %add3A_17 : vector<1024x1xf32>
    %exp3A = math.exp %neg3A_19 : vector<1024x1xf32>
    %add3A_20 = arith.constant 1.000000e+00 : f32
    %add3A_21 = vector.broadcast %add3A_20 : f32 to vector<1024x1xf32>
    %add3A_22 = arith.addf %add3A_21, %exp3A : vector<1024x1xf32>
    %div3A_23 = arith.constant 1.000000e+00 : f32
    %div3A_24 = vector.broadcast %div3A_23 : f32 to vector<1024x1xf32>
    %div3A_25 = arith.divf %div3A_24, %add3A_22 : vector<1024x1xf32>
    %broadcast_in_dim3A = vector.shape_cast %div3A_25 : vector<1024x1xf32> to vector<1024x1xf32>
    %broadcast_in_dim3A_26 = vector.broadcast %broadcast_in_dim3A : vector<1024x1xf32> to vector<1024x16xf32>
    %swap3A = arith.constant 0 : index
    %swap3A_27 = arith.constant 0 : index
    %swap3A_28 = vector.load %arg3[%swap3A, %swap3A_27] : memref<1024x16xf32, #tpu.memory_space<vmem>>, vector<1024x16xf32>
    tpu.vector_store %arg3[%swap3A, %swap3A_27], %broadcast_in_dim3A_26 {strides = array<i32>} : memref<1024x16xf32, #tpu.memory_space<vmem>>, vector<1024x16xf32>,
    return
  }
  func.func @transform_0(%arg0: i32) -> (i32, i32, i32) {
    %c0_i32 = arith.constant 0 : i32
    %c0_i32_0 = arith.constant 0 : i32
    %c0_i32_1 = arith.constant 0 : i32
    return %c0_i32, %arg0, %c0_i32_0 : i32, i32, i32
  }
  func.func @transform_1(%arg0: i32) -> (i32, i32) {
    %c0_i32 = arith.constant 0 : i32
    %c0_i32_0 = arith.constant 0 : i32
    %c0_i32_1 = arith.constant 0 : i32
    return %c0_i32, %c0_i32_0 : i32, i32
  }
  func.func @transform_2(%arg0: i32) -> (i32, i32) {
    %c0_i32 = arith.constant 0 : i32
    %c0_i32_0 = arith.constant 0 : i32
    return %arg0, %c0_i32 : i32, i32
  }
}

</mosaic_0001>

<sc_bundles>
// kernel: kernel.10.cloned.1.call-start
scs
__scs_entry_jumppad:
0x0: {  	(pc) =	sbr.rel $0x88, $3  }
0x1: {  	(tag) =	ssettag $0x0;
	lr =	simm.s32 $0x1  }
0x2: {  	[smem:$0x3F97] =	sst lr;
	_ =	strace $0xD0000000  }
0x3: {  	_ = 	snop  }
0x4: {  	_ = 	snop  }
0x5: {  	_ = 	snop  }
0x6: {  	_ = 	snop  }
0x7: {  	_ = 	snop  }
__scs_overlays_trampoline_lowered:
0x8: {  	[smem:$0x3FA6] =	sst s0  }
0x9: {  	[smem:$0x3FA7] =	sst s1  }
0xa: {  	[smem:$0x3FA8] =	sst s2  }
0xb: {  	[smem:$0x3FA9] =	sst s3  }
0xc: {  	[smem:$0x3FAA] =	sst s4  }
0xd: {  	[smem:$0x3FAB] =	sst s5  }
0xe: {  	[smem:$0x3FAC] =	sst s6  }
0xf: {  	[smem:$0x3FAD] =	sst s7  }
0x10: {  	[smem:$0x3FAE] =	sst s8  }
0x11: {  	[smem:$0x3FAF] =	sst s9;
	s0 =	simm.s32 @!p0 $0x0  }
0x12: {  	s1 =	sld [smem:$0x3F95];
	s0 =	simm.s32 @p0 $0x1  }
0x13: {  	[smem:$0x3FB0] =	sst s0;
	s0 =	simm.s32 @!p1 $0x0  }
0x14: {  	s2 =	sld [smem:$0x3F94];
	s0 =	simm.s32 @p1 $0x1  }
0x15: {  	[smem:$0x3FB1] =	sst s0;
	s0 =	simm.s32 @!p2 $0x0  }
0x16: {  	s3 =	sld [smem:$0x3FDB];
	s0 =	simm.s32 @p2 $0x1  }
0x17: {  	s4 =	simm.s32 $0x1BF5;
	[smem:$0x3FB3] =	sst s0  }
0x18: {  	s0 =	sld [smem:$0x3F96];
	_ =	swait.ge [sflag:s4], $0x0  }
0x19: {  	s7 =	sld [smem:$0x3F97]  }
0x1a: {  	s8 =	sadd.s32 $0xFFFFE003, lr  }
0x1b: {  	s9 =	sadd.s32 $0xFFFFFEF7, lr;
	s5 =	simm.s32 $0xFFFFFFFF;
	p2 =	slt.u32 s8, $0xFFFFF086  }
0x1c: {  	p1 =	slt.u32 s9, $0xF7A;
	s5 =	simm.s32 @!p2 $0x0  }
0x1d: {  	s5 =	simm.s32 @p1 $0x1;
	p0 =	seq.s32 s7, s2  }
0x1e: {  	s7 =	smul.u32 @!p0 $0xF7A, s2;
	p2 =	seq.s32 @!p0 s5, $0x0  }
0x1f: {  	s9 =	smul.u32 $0xF7A, s1;
	s8 =	simm.s32 @!p0 $0x1BF5;
	p2 =	por !p2, p0  }
0x20: {  	[sflag:s8] =	ssyncset.s32 @!p0 $0xFFFFF086;
	s6 =	sadd.s32 @!p0 s3, s7;
	s7 =	simm.s32 @!p0 $0x108  }
0x21: {  	s3 =	sadd.s32 s3, s9;
	s6 =	sadd.s32 @!p0 $0x88, s6;
	s7 =	simm.s32 @p2 $0x1082  }
0x22: {  	[simem:s7], [sflag:s8] =	dma.local @!p0 [hbm:s6], $0xF7A  }
0x23: {  	s9 =	sor.u32 $0xD0000000, s2;
	s6 =	simm.s32 $0x108;
	_ =	swait.ge @!p0 [sflag:s8], $0x0  }
0x24: {  	s3 =	sadd.s32 $0x88, s3;
	s6 =	simm.s32 @!p1 $0x1082;
	[sflag:s4] =	ssyncset.s32 $0xFFFFF086  }
0x25: {  	[simem:s6], [sflag:s4] =	dma.local [hbm:s3], $0xF7A  }
0x26: {  	[smem:$0x3F97] =	sst s1;
	(tag) =	ssettag s2;
	_ =	strace s9  }
0x27: {  	s1 =	sld [smem:$0x3FA7]  }
0x28: {  	s2 =	sld [smem:$0x3FA8]  }
0x29: {  	s4 =	sld [smem:$0x3FAA]  }
0x2a: {  	p0 =	seq.s32 s5, $0x0;
	s5 =	sld [smem:$0x3FAB]  }
0x2b: {  	s6 =	sld [smem:$0x3FAC]  }
0x2c: {  	s7 =	sld [smem:$0x3FAD]  }
0x2d: {  	s3 =	simm.s32 $0x108;
	s8 =	sld [smem:$0x3FAE]  }
0x2e: {  	s3 =	simm.s32 @!p0 $0x1082;
	s9 =	sld [smem:$0x3FAF]  }
0x2f: {  	lr =	sadd.s32 s0, s3;
	s0 =	sld [smem:$0x3FA6]  }
0x30: {  	s3 =	sld [smem:$0x3FA9]  }
0x31: {  	[smem:$0x3FB2] =	sst s10  }
0x32: {  	s10 =	sld [smem:$0x3FB0];
	_ =	sdelay $0x3  }
0x33: {  	p0 =	seq.s32 s10, $0x1;
	s10 =	sld [smem:$0x3FB2];
	_ =	sdelay $0x3  }
0x34: {  	[smem:$0x3FB2] =	sst s10  }
0x35: {  	s10 =	sld [smem:$0x3FB1];
	_ =	sdelay $0x3  }
0x36: {  	p1 =	seq.s32 s10, $0x1;
	s10 =	sld [smem:$0x3FB2];
	_ =	sdelay $0x3  }
0x37: {  	[smem:$0x3FB2] =	sst s10  }
0x38: {  	s10 =	sld [smem:$0x3FB3]  }
0x39: {  	_ = 	snop;
	(pc) =	sbr.ind lr, $3  }
0x3a: {  	_ = 	snop  }
0x3b: {  	_ = 	snop  }
0x3c: {  	p2 =	seq.s32 s10, $0x1;
	s10 =	sld [smem:$0x3FB2]  }
0x3d: {  	_ =	shalt  }
0x3e: {  	_ =	shalt  }
0x3f: {  	_ =	shalt  }
0x40: {  	_ =	shalt  }
0x41: {  	_ =	shalt  }
0x42: {  	_ =	shalt  }
0x43: {  	_ =	shalt  }
0x44: {  	_ =	shalt  }
0x45: {  	_ =	shalt  }
0x46: {  	_ =	shalt  }
0x47: {  	_ =	shalt  }
0x48: {  	_ =	shalt  }
0x49: {  	_ =	shalt  }
0x4a: {  	_ =	shalt  }
0x4b: {  	_ =	shalt  }
0x4c: {  	_ =	shalt  }
0x4d: {  	_ =	shalt  }
0x4e: {  	_ =	shalt  }
0x4f: {  	_ =	shalt  }
0x50: {  	_ =	shalt  }
0x51: {  	_ =	shalt  }
0x52: {  	_ =	shalt  }
0x53: {  	_ =	shalt  }
0x54: {  	_ =	shalt  }
0x55: {  	_ =	shalt  }
0x56: {  	_ =	shalt  }
0x57: {  	_ =	shalt  }
0x58: {  	_ =	shalt  }
0x59: {  	_ =	shalt  }
0x5a: {  	_ =	shalt  }
0x5b: {  	_ =	shalt  }
0x5c: {  	_ =	shalt  }
0x5d: {  	_ =	shalt  }
0x5e: {  	_ =	shalt  }
0x5f: {  	_ =	shalt  }
0x60: {  	_ =	shalt  }
0x61: {  	_ =	shalt  }
0x62: {  	_ =	shalt  }
0x63: {  	_ =	shalt  }
0x64: {  	_ =	shalt  }
0x65: {  	_ =	shalt  }
0x66: {  	_ =	shalt  }
0x67: {  	_ =	shalt  }
0x68: {  	_ =	shalt  }
0x69: {  	_ =	shalt  }
0x6a: {  	_ =	shalt  }
0x6b: {  	_ =	shalt  }
0x6c: {  	_ =	shalt  }
0x6d: {  	_ =	shalt  }
0x6e: {  	_ =	shalt  }
0x6f: {  	_ =	shalt  }
0x70: {  	_ =	shalt  }
0x71: {  	_ =	shalt  }
0x72: {  	_ =	shalt  }
0x73: {  	_ =	shalt  }
0x74: {  	_ =	shalt  }
0x75: {  	_ =	shalt  }
0x76: {  	_ =	shalt  }
0x77: {  	_ =	shalt  }
0x78: {  	_ =	shalt  }
0x79: {  	_ =	shalt  }
0x7a: {  	_ =	shalt  }
0x7b: {  	_ =	shalt  }
0x7c: {  	_ =	shalt  }
0x7d: {  	_ =	shalt  }
0x7e: {  	_ =	shalt  }
0x7f: {  	_ =	shalt  }
0x80: {  	_ =	shalt  }
0x81: {  	_ =	shalt  }
0x82: {  	_ =	shalt  }
0x83: {  	_ =	shalt  }
0x84: {  	_ =	shalt  }
0x85: {  	_ =	shalt  }
0x86: {  	_ =	shalt  }
0x87: {  	_ =	shalt  }
.Lfunc_end0:
.L_simem_size_0:
called_computation.1_lowered:
.L_overlay_start_0:
0x88: {  	s2 =	sld [smem:$0x3FD9]  }
0x89: {  	s3 =	sld [smem:$0x3FFE];
	_ =	sdelay $0x1  }
0x8a: {  	s1 =	srdreg.scid  }
0x8b: {  	s0 =	sand.u32 $0x1, s1  }
0x8c: {  	s16 =	sshll.u32 s0, $0xA;
	s2 =	sadd.s32 s3, s2  }
0x8d: {  	s2 =	sadd.s32 s2, s16  }
0x8e: {  	[smem:$0x3FBE] =	sst s2  }
0x8f: {  	_ = 	snop  }
0x90: {  	(tm) =	ssettm $0x1  }
0x91: {  	s17 =	sld [smem:$0x3FFB];
	_ =	sdelay $0x3  }
0x92: {  	_ =	strace s17  }
0x93: {  	s2 =	sld [smem:$0x3FFC];
	_ =	sdelay $0x3  }
0x94: {  	_ =	strace s2  }
0x95: {  	s2 =	sld [smem:$0x3FFD];
	_ =	sdelay $0x3  }
0x96: {  	_ =	strace s2  }
0x97: {  	_ =	strace $0x8FFFFFFF  }
0x98: {  	s18 =	sld [smem:$0x3FDB];
	_ =	sdelay $0x1  }
0x99: {  	s19 =	simm.s32 $_scs_section_size  }
0x9a: {  	s4 =	simm.s32 $_size__tile_overlayer_lowered;
	s5 =	simm.s32 $_tile_overlayer_lowered  }
0x9b: {  	s22 =	simm.s32 $0x1BFF;
	s21 =	sshll.u32 s5, $0x1;
	s2 =	sadd.s32 s19, s18  }
0x9c: {  	s6 =	simm.s32 $0x0;
	s20 =	sshll.u32 s4, $0x1;
	s4 =	sadd.s32 s21, s2  }
0x9d: {  	[timem:s6], [sflag:s22] =	dma.local [hbm:s4], s20  }
0x9e: {  	_ =	swait.ge [sflag:s22], s20  }
0x9f: {  	s3 =	ssub.s32 $0x0, s20;
	[sflag:s22] =	ssyncset.done $0x0  }
0xa0: {  	[sflag:s22] =	ssyncadd.s32 s3;
	_ =	sdelay $0x1  }
0xa1: {  	s23 =	simm.s32 $0x1B8B  }
0xa2: {  	_ =	swait.ge [sflag:s23], $0x1  }
0xa3: {  	[sflag:s23] =	ssyncset.done $0x0  }
0xa4: {  	s25 =	simm.s32 $0x1B8E;
	s24 =	sld [smem:$0x3FFE];
	[sflag:s23] =	ssyncadd.s32 $0xFFFFFFFF  }
0xa5: {  	s26 =	simm.s32 $execute0_lowered;
	[smem:$0x3FD2] =	sst s25  }
0xa6: {  	s4 =	sshll.u32 s26, $0x1;
	_ =	strace $0x80000049;
	[dreg:$0x1] =	wrdreg $0xFFFFFFFF  }
0xa7: {  	s28 =	simm.s32 $_size_execute0_lowered;
	s2 =	sadd.s32 s2, s4;
	[dreg:$0x0] =	wrdreg $0x0  }
0xa8: {  	s4 =	sshll.u32 s28, $0x1;
	[dreg:$0x2] =	wrdreg s2  }
0xa9: {  	[dreg:$0x3] =	wrdreg s4  }
0xaa: {  	[dreg:$0x4] =	wrdreg $0xC0  }
0xab: {  	_ =	task [dreg:s6], $0x5FFFF  }
0xac: {  	[dreg:$0x1] =	wrdreg $0xFFFFFFFF  }
0xad: {  	[dreg:$0x0] =	wrdreg $0x60  }
0xae: {  	[dreg:$0x2] =	wrdreg s24  }
0xaf: {  	[dreg:$0x3] =	wrdreg $0x3A000  }
0xb0: {  	[dreg:$0x4] =	wrdreg $0x9  }
0xb1: {  	_ =	task.clear_ibuf [dreg:s6], $0x5FFFF;
	_ =	strace $0x90000049  }
0xb2: {  	s29 =	simm.s32 $0x9;
	_ =	strace $0x8000004B  }
0xb3: {  	_ =	swait.ge [sflag:s29], $0x1  }
0xb4: {  	[sflag:s29] =	ssyncadd.s32 $0xFFFFFFFF  }
0xb5: {  	_ =	strace $0x9000004B  }
0xb6: {  	_ =	sfence  }
0xb7: {  	s30 =	sld [smem:$0x0];
	_ =	sdelay $0x2  }
0xb8: {  	s31 =	sshll.u32 s1, $0xD;
	s1 =	sshrl.u32 s1, $0x2  }
0xb9: {  	s3 =	sand.u32 $0x4000, s31;
	s1 =	sadd.s32 s1, s30  }
0xba: {  	s0 =	sor.u32 s3, s0;
	s1 =	sshll.u32 s1, $0x11  }
0xbb: {  	s0 =	sor.u32 s1, s0  }
0xbc: {  	s0 =	sadd.s32 $0x8F2B, s0  }
0xbd: {  	[sflag:s0] =	ssyncadd.remote.s32 $0x1  }
0xbe: {  	_ =	sfence.sel $0xFFFF  }
0xbf: {  	[dreg:$0x0] =	wrdreg $0xFFFFFFFF;
	(pc) =	sbr.abs _section_cstart, $3  }
0xc0: {  	[dreg:$0x1] =	wrdreg $0xFFFFFFFF  }
0xc1: {  	_ =	task.clear_ibuf [dreg:s6], $0x2FFFF;
	_ =	strace $0x9FFFFFFF  }
0xc2: {  	(tm) =	ssettm $0x7FFFFFFF  }
0xc3: {  	_ =	shalt  }
tec
execute0_lowered:
.L_overlay_start_1:
0x0: {  	(tag) =	ssettag $0x1  }
0x1: {  	s0 =	rddreg [dreg:$0x0]  }
0x2: {  	s1 =	rddreg [dreg:$0x1];
	s2 =	simm.s32 $0x0  }
0x3: {  	s4 =	srdreg.scid;
	s14 =	stileid.u32;
	s17 =	simm.s32 $0x80  }
0x4: {  	s18 =	simm.s32 $0x1;
	s19 =	simm.s32 $0x100;
	s20 =	simm.s32 $0x900  }
0x5: {  	s21 =	simm.s32 $0x1100;
	s22 =	simm.s32 $0x1900;
	s23 =	simm.s32 $0x1980  }
0x6: {  	s28 =	simm.s32 $0x2200;
	s29 =	simm.s32 $0x2A00;
	s30 =	simm.s32 $0x3200  }
0x7: {  	s31 =	simm.s32 $0x3;
	[smem:$0x7FF] =	sst s2;
	s3 =	sadd.s32 $0x28400, s0  }
0x8: {  	s5 =	sand.u32 $0x1, s4;
	s4 =	sadd.s32 $0x1E600, s0;
	s6 =	sadd.s32 $0xA600, s0  }
0x9: {  	s10 =	smul.u32 $0x2800, s14;
	s11 =	sshll.u32 s14, $0x1;
	s7 =	sadd.s32 $0x5600, s0  }
0xa: {  	s8 =	sadd.s32 $0x600, s0;
	s15 =	sadd.s32 $0x32200, s0;
	p0 =	sne.s32 s14, $0x0  }
0xb: {  	_ =	strace $0x8000004A;
	s9 =	smul.u32 $0x28000, s5;
	s11 =	sor.u32 s5, s11  }
0xc: {  	s5 =	ssub.s32 $0x2, s5;
	[dreg:$0x3] =	wrdreg s15;
	s12 =	smul.u32 $0x4F0, s11  }
0xd: {  	s13 =	sshrl.u32 s5, $0x1;
	s11 =	smul.u32 $0x4F, s11;
	s26 =	sadd.s32 s10, s1  }
0xe: {  	s9 =	sadd.s32 s10, s9;
	s5 =	ssub.s32 s5, s13;
	s24 =	sadd.s32 s3, s12  }
0xf: {  	s9 =	sshrl.u32 s9, $0x3;
	s25 =	sadd.s32 s4, s12;
	[dreg:$0x4] =	wrdreg s24  }
0x10: {  	s12 =	sadd.s32 $0x1, s11;
	s5 =	smax.u32 s5, $0x1;
	[dreg:$0x5] =	wrdreg s25  }
0x11: {  	s0 =	sadd.s32 s9, s0;
	[dreg:$0x7] =	wrdreg s5;
	s5 =	sshrl.u32 @!p0 s1, $0x3  }
0x12: {  	s13 =	sadd.s32 $0x2, s11;
	s0 =	sadd.s32 $0xF600, s0;
	[dreg:$0x8] =	wrdreg s5  }
0x13: {  	s24 =	simm.s32 $0x2;
	[dreg:$0x6] =	wrdreg s0;
	s0 =	sshrl.u32 s26, $0x3  }
0x14: {  	s26 =	simm.s32 $0x1A00;
	[dreg:$0x9] =	wrdreg s0;
	s0 =	simm.s32 $0x0  }
.LBB2_1:
0x15: {  	s9 =	rddreg [dreg:$0x3]  }
0x16: {  	s5 =	simm.s32 @!p0 $0x1C03;
	s10 =	rddreg [dreg:$0x8]  }
0x17: {  	[spmem:s10], [sflag:s5] =	dma.local @!p0 [hbm:s9], $0x5000  }
0x18: {  	s5 =	simm.s32 @!p0 $0x3  }
0x19: {  	_ =	swait.ge @!p0 [sflag:s5], $0x5000  }
0x1a: {  	[sflag:s5] =	ssyncset.done @!p0 $0x0  }
0x1b: {  	[sflag:s5] =	ssyncadd.s32 @!p0 $0xFFFFB000  }
0x1c: {  	[bflag:$0x0] =	sbarrier.arrive $0xFFFF  }
0x1d: {  	s16 =	rddreg [dreg:$0x4]  }
0x1e: {  	[tilespmem:s2], [sflag:$0x1] =	stream.linear.gather [hbm4b:s16+s2], $0x80, $0x38;
	[tilespmem:$0x6200] =	vst v63  }
0x1f: {  	s25 =	rddreg [dreg:$0x5]  }
0x20: {  	[tilespmem:s17], [sflag:$0x1] =	stream.linear.gather [hbm4b:s25+s2], $0x80, $0x38;
	[tilespmem:$0x6200] =	vst v63  }
0x21: {  	_ =	swait.ge [sflag:s18], $0x80  }
0x22: {  	[sflag:s18] =	ssyncset.done $0x0  }
0x23: {  	[sflag:s18] =	ssyncadd.s32 $0xFFFFFF80  }
0x24: {  	_ =	swait.ge [sflag:s18], $0x80  }
0x25: {  	[sflag:s18] =	ssyncset.done $0x0  }
0x26: {  	[sflag:s18] =	ssyncadd.s32 $0xFFFFFF80  }
0x27: {  	[tilespmem:s19], [sflag:$0x1] =	stream.indirect.gather [hbm4b:s6+s17], $0x10, s2, s17, $0xb8;
	[tilespmem:$0x6200] =	vst v63  }
0x28: {  	_ = 	snop  }
0x29: {  	[tilespmem:s20], [sflag:$0x1] =	stream.indirect.gather [hbm4b:s7+s17], $0x10, s17, s17, $0xb8;
	[tilespmem:$0x6200] =	vst v63  }
0x2a: {  	s5 =	simm.s32 $0x0  }
0x2b: {  	[tilespmem:s21], [sflag:$0x1] =	stream.indirect.gather [hbm4b:s8+s17], $0x10, s2, s17, $0xb8;
	[tilespmem:$0x6200] =	vst v63  }
.LBB2_2:
0x2c: {  	s9 =	sshll.u32 s5, $0x1  }
0x2d: {  	s10 =	sadd.s32 s9, s12  }
0x2e: {  	s10 =	sshll.u32 s10, $0x4  }
0x2f: {  	s10 =	sand.u32 $0x1FFFFFF0, s10  }
0x30: {  	s14 =	simm.s32 $0x0;
	s11 =	sadd.s32 s3, s10  }
0x31: {  	[tilespmem:s22], [sflag:$0x2] =	stream.linear.gather [hbm4b:s11+s14], $0x80, $0x38;
	[tilespmem:$0x6200] =	vst v63  }
0x32: {  	s10 =	sadd.s32 s4, s10  }
0x33: {  	[tilespmem:s23], [sflag:$0x2] =	stream.linear.gather [hbm4b:s10+s14], $0x80, $0x38;
	[tilespmem:$0x6200] =	vst v63  }
0x34: {  	_ =	swait.ge [sflag:s24], $0x80  }
0x35: {  	[sflag:s24] =	ssyncset.done $0x0  }
0x36: {  	[sflag:s24] =	ssyncadd.s32 $0xFFFFFF80  }
0x37: {  	_ =	swait.ge [sflag:s24], $0x80  }
0x38: {  	[sflag:s24] =	ssyncset.done $0x0  }
0x39: {  	[sflag:s24] =	ssyncadd.s32 $0xFFFFFF80  }
0x3a: {  	[tilespmem:s26], [sflag:$0x2] =	stream.indirect.gather [hbm4b:s6+s17], $0x10, s22, s17, $0xb8;
	[tilespmem:$0x6200] =	vst v63  }
0x3b: {  	_ = 	snop  }
0x3c: {  	[tilespmem:s28], [sflag:$0x2] =	stream.indirect.gather [hbm4b:s7+s17], $0x10, s23, s17, $0xb8;
	[tilespmem:$0x6200] =	vst v63  }
0x3d: {  	_ = 	snop  }
0x3e: {  	[tilespmem:s29], [sflag:$0x2] =	stream.indirect.gather [hbm4b:s8+s17], $0x10, s22, s17, $0xb8;
	[tilespmem:$0x6200] =	vst v63  }
0x3f: {  	_ =	swait.ge [sflag:s18], $0x800  }
0x40: {  	[sflag:s18] =	ssyncset.done $0x0  }
0x41: {  	[sflag:s18] =	ssyncadd.s32 $0xFFFFF800  }
0x42: {  	_ =	swait.ge [sflag:s18], $0x800  }
0x43: {  	[sflag:s18] =	ssyncset.done $0x0  }
0x44: {  	[sflag:s18] =	ssyncadd.s32 $0xFFFFF800  }
0x45: {  	_ =	swait.ge [sflag:s18], $0x800  }
0x46: {  	[sflag:s18] =	ssyncset.done $0x0  }
0x47: {  	s11 =	simm.s32 $0x0;
	[sflag:s18] =	ssyncadd.s32 $0xFFFFF800  }
0x48: {  	v0 =	vld [tilespmem:s11+$0x100]  }
0x49: {  	v1 =	vld [tilespmem:s11+$0x900];
	_ =	sdelay $0x4  }
0x4a: {  	s14 =	simm.s32 $0x10;
	v0 =	vadd.f32 v1, v0  }
0x4b: {  	v2 =	vld [tilespmem:s14+$0x100]  }
0x4c: {  	v3 =	vld [tilespmem:s14+$0x900];
	v1 =	vmul.f32 $2.000000030e-01, v0;
	_ =	sdelay $0x1  }
0x4d: {  	v0 =	vmax.f32 v0, v1  }
0x4e: {  	v0 =	vmul.f32 $1.442695020e+00, v0  }
0x4f: {  	s10 =	simm.s32 $0x20  }
0x50: {  	v4 =	vld [tilespmem:s10+$0x900];
	(erf) = vpow2.f32 v0;
	v0 =	vadd.f32 v3, v2  }
0x51: {  	v1 =	vld [tilespmem:s10+$0x100]  }
0x52: {  	v2 =	vmul.f32 $2.000000030e-01, v0;
	_ =	sdelay $0x1  }
0x53: {  	v0 =	vmax.f32 v0, v2  }
0x54: {  	s15 =	simm.s32 $0x30;
	v0 =	vmul.f32 $1.442695020e+00, v0  }
0x55: {  	v3 =	vadd.f32 v4, v1;
	v1 =	vld [tilespmem:s15+$0x100]  }
0x56: {  	v2 =	vld [tilespmem:s15+$0x900];
	(erf) = vpow2.f32 v0  }
0x57: {  	v4 =	vmul.f32 $2.000000030e-01, v3;
	v0 =	vld [tilespmem:s11+$0x1100];
	_ =	sdelay $0x1  }
0x58: {  	s16 =	simm.s32 $0x100;
	v4 =	vmax.f32 v3, v4;
	v3 =	vpop (erf)  }
.LBB2_3:
0x59: {  	s25 =	sshra.s32 s16, $0x2;
	v4 =	vmul.f32 $1.442695020e+00, v4;
	v3 =	vbroadcast v3, $0x0;
	p1 =	sne.s32 s16, $0x1FC0  }
.Ltmp0:
0x5a: {  	s16 =	sadd.s32 $0x40, s16;
	v5 =	vadd.f32 v2, v1;
	v1 =	vld [tilespmem:s25+$0x100];
	(pc) =	sbr.rel @p1 .LBB2_3-.Ltmp0, $4  }
0x5b: {  	v2 =	vld [tilespmem:s25+$0x900];
	(erf) = vpow2.f32 v4;
	v6 =	vmul.f32 v3, v0  }
0x5c: {  	v4 =	vmul.f32 $2.000000030e-01, v5;
	v0 =	vld [tilespmem:s14+$0x1100]  }
0x5d: {  	[tilespmem:s11+$0x3200] =	vst v6;
	s11 =	smov.u32 s14;
	s14 =	smov.u32 s10;
	s10 =	smov.u32 s15  }
0x5e: {  	s15 =	smov.u32 s25;
	v4 =	vmax.f32 v5, v4;
	v3 =	vpop (erf)  }
0x5f: {  	_ = 	snop  }
0x60: {  	v1 =	vadd.f32 v2, v1;
	_ =	sdelay $0x1  }
0x61: {  	v2 =	vmul.f32 $2.000000030e-01, v1;
	_ =	sdelay $0x1  }
0x62: {  	v1 =	vmax.f32 v1, v2  }
0x63: {  	v4 =	vmul.f32 $1.442695020e+00, v4;
	v1 =	vmul.f32 $1.442695020e+00, v1;
	_ =	sdelay $0x1  }
0x64: {  	(erf) = vpow2.f32 v4;
	v2 =	vld [tilespmem:s14+$0x1100]  }
0x65: {  	v3 =	vbroadcast v3, $0x0;
	(erf) = vpow2.f32 v1  }
0x66: {  	v1 =	vpop (erf)  }
0x67: {  	v0 =	vmul.f32 v3, v0;
	v1 =	vbroadcast v1, $0x0;
	_ =	sdelay $0x1  }
0x68: {  	[tilespmem:s11+$0x3200] =	vst v0;
	v0 =	vmul.f32 v1, v2;
	_ =	sdelay $0x1  }
0x69: {  	v1 =	vld [tilespmem:s10+$0x1100];
	[tilespmem:s14+$0x3200] =	vst v0  }
0x6a: {  	v0 =	vld [tilespmem:s15+$0x1100]  }
0x6b: {  	v2 =	vpop (erf)  }
0x6c: {  	v2 =	vbroadcast v2, $0x0;
	v3 =	vpop (erf)  }
0x6d: {  	v3 =	vbroadcast v3, $0x0  }
0x6e: {  	v1 =	vmul.f32 v2, v1  }
0x6f: {  	v0 =	vmul.f32 v3, v0  }
0x70: {  	[tilespmem:s10+$0x3200] =	vst v1  }
0x71: {  	s9 =	sadd.s32 s9, s13;
	[tilespmem:s15+$0x3200] =	vst v0  }
0x72: {  	[spmem:s1] =	stream.indirect.scatter.add.f32 [tilespmem:s30], [sflag:$0x3], $0x10, s17, s17, $0xb8;
	[tilespmem:$0x6200] =	vst v63  }
0x73: {  	s9 =	sshll.u32 s9, $0x4;
	_ =	swait.ge [sflag:s31], $0x800  }
0x74: {  	s9 =	sand.u32 $0x1FFFFFF0, s9;
	[sflag:s31] =	ssyncset.done $0x0  }
0x75: {  	s25 =	simm.s32 $0x0;
	s16 =	sadd.s32 s3, s9;
	[sflag:s31] =	ssyncadd.s32 $0xFFFFF800  }
0x76: {  	[tilespmem:s25], [sflag:$0x1] =	stream.linear.gather [hbm4b:s16+s25], $0x80, $0x38;
	[tilespmem:$0x6200] =	vst v63  }
0x77: {  	s9 =	sadd.s32 s4, s9  }
0x78: {  	[tilespmem:s17], [sflag:$0x1] =	stream.linear.gather [hbm4b:s9+s25], $0x80, $0x38;
	[tilespmem:$0x6200] =	vst v63  }
0x79: {  	_ =	swait.ge [sflag:s18], $0x80  }
0x7a: {  	[sflag:s18] =	ssyncset.done $0x0  }
0x7b: {  	[sflag:s18] =	ssyncadd.s32 $0xFFFFFF80  }
0x7c: {  	_ =	swait.ge [sflag:s18], $0x80  }
0x7d: {  	[sflag:s18] =	ssyncset.done $0x0  }
0x7e: {  	[sflag:s18] =	ssyncadd.s32 $0xFFFFFF80  }
0x7f: {  	[tilespmem:s19], [sflag:$0x1] =	stream.indirect.gather [hbm4b:s6+s17], $0x10, s25, s17, $0xb8;
	[tilespmem:$0x6200] =	vst v63  }
0x80: {  	_ = 	snop  }
0x81: {  	[tilespmem:s20], [sflag:$0x1] =	stream.indirect.gather [hbm4b:s7+s17], $0x10, s17, s17, $0xb8;
	[tilespmem:$0x6200] =	vst v63  }
0x82: {  	_ = 	snop  }
0x83: {  	[tilespmem:s21], [sflag:$0x1] =	stream.indirect.gather [hbm4b:s8+s17], $0x10, s25, s17, $0xb8;
	[tilespmem:$0x6200] =	vst v63  }
0x84: {  	_ =	swait.ge [sflag:s24], $0x800  }
0x85: {  	[sflag:s24] =	ssyncset.done $0x0  }
0x86: {  	[sflag:s24] =	ssyncadd.s32 $0xFFFFF800  }
0x87: {  	_ =	swait.ge [sflag:s24], $0x800  }
0x88: {  	[sflag:s24] =	ssyncset.done $0x0  }
0x89: {  	[sflag:s24] =	ssyncadd.s32 $0xFFFFF800  }
0x8a: {  	_ =	swait.ge [sflag:s24], $0x800  }
0x8b: {  	[sflag:s24] =	ssyncset.done $0x0  }
0x8c: {  	s10 =	simm.s32 $0x0;
	[sflag:s24] =	ssyncadd.s32 $0xFFFFF800  }
0x8d: {  	v0 =	vld [tilespmem:s10+$0x1A00]  }
0x8e: {  	v1 =	vld [tilespmem:s10+$0x2200];
	_ =	sdelay $0x4  }
0x8f: {  	s11 =	simm.s32 $0x10;
	v0 =	vadd.f32 v1, v0  }
0x90: {  	v2 =	vld [tilespmem:s11+$0x1A00]  }
0x91: {  	v3 =	vld [tilespmem:s11+$0x2200];
	v1 =	vmul.f32 $2.000000030e-01, v0;
	_ =	sdelay $0x1  }
0x92: {  	v0 =	vmax.f32 v0, v1  }
0x93: {  	v0 =	vmul.f32 $1.442695020e+00, v0  }
0x94: {  	s9 =	simm.s32 $0x20  }
0x95: {  	v4 =	vld [tilespmem:s9+$0x2200];
	(erf) = vpow2.f32 v0;
	v0 =	vadd.f32 v3, v2  }
0x96: {  	v1 =	vld [tilespmem:s9+$0x1A00]  }
0x97: {  	v2 =	vmul.f32 $2.000000030e-01, v0;
	_ =	sdelay $0x1  }
0x98: {  	v0 =	vmax.f32 v0, v2  }
0x99: {  	s14 =	simm.s32 $0x30;
	v0 =	vmul.f32 $1.442695020e+00, v0  }
0x9a: {  	v3 =	vadd.f32 v4, v1;
	v1 =	vld [tilespmem:s14+$0x1A00]  }
0x9b: {  	v2 =	vld [tilespmem:s14+$0x2200];
	(erf) = vpow2.f32 v0  }
0x9c: {  	v4 =	vmul.f32 $2.000000030e-01, v3;
	v0 =	vld [tilespmem:s10+$0x2A00];
	_ =	sdelay $0x1  }
0x9d: {  	s15 =	simm.s32 $0x100;
	v4 =	vmax.f32 v3, v4;
	v3 =	vpop (erf)  }
.LBB2_5:
0x9e: {  	s16 =	sshra.s32 s15, $0x2;
	v4 =	vmul.f32 $1.442695020e+00, v4;
	v3 =	vbroadcast v3, $0x0;
	p1 =	sne.s32 s15, $0x1FC0  }
.Ltmp1:
0x9f: {  	s15 =	sadd.s32 $0x40, s15;
	v5 =	vadd.f32 v2, v1;
	v1 =	vld [tilespmem:s16+$0x1A00];
	(pc) =	sbr.rel @p1 .LBB2_5-.Ltmp1, $4  }
0xa0: {  	v2 =	vld [tilespmem:s16+$0x2200];
	(erf) = vpow2.f32 v4;
	v6 =	vmul.f32 v3, v0  }
0xa1: {  	v4 =	vmul.f32 $2.000000030e-01, v5;
	v0 =	vld [tilespmem:s11+$0x2A00]  }
0xa2: {  	[tilespmem:s10+$0x3200] =	vst v6;
	s10 =	smov.u32 s11;
	s11 =	smov.u32 s9;
	s9 =	smov.u32 s14  }
0xa3: {  	s14 =	smov.u32 s16;
	v4 =	vmax.f32 v5, v4;
	v3 =	vpop (erf)  }
0xa4: {  	_ = 	snop  }
0xa5: {  	v1 =	vadd.f32 v2, v1;
	_ =	sdelay $0x1  }
0xa6: {  	v2 =	vmul.f32 $2.000000030e-01, v1;
	_ =	sdelay $0x1  }
0xa7: {  	v4 =	vmul.f32 $1.442695020e+00, v4;
	v1 =	vmax.f32 v1, v2  }
0xa8: {  	v1 =	vmul.f32 $1.442695020e+00, v1  }
0xa9: {  	v58 =	vld [tilespmem:s11+$0x2A00];
	(erf) = vpow2.f32 v4  }
0xaa: {  	(erf) = vpow2.f32 v1  }
0xab: {  	v3 =	vbroadcast v3, $0x0;
	v59 =	vpop (erf)  }
0xac: {  	v1 =	vbroadcast v59, $0x0  }
0xad: {  	v0 =	vmul.f32 v3, v0  }
0xae: {  	v60 =	vmul.f32 v1, v58  }
0xaf: {  	[tilespmem:s10+$0x3200] =	vst v0  }
0xb0: {  	v61 =	vld [tilespmem:s9+$0x2A00];
	[tilespmem:s11+$0x3200] =	vst v60  }
0xb1: {  	v0 =	vld [tilespmem:s14+$0x2A00]  }
0xb2: {  	v62 =	vpop (erf)  }
0xb3: {  	v2 =	vbroadcast v62, $0x0;
	v63 =	vpop (erf)  }
0xb4: {  	v3 =	vbroadcast v63, $0x0  }
0xb5: {  	v1 =	vmul.f32 v2, v61  }
0xb6: {  	s5 =	sadd.s32 $0x1, s5;
	v0 =	vmul.f32 v3, v0  }
0xb7: {  	p1 =	sne.s32 s5, $0x27;
	[tilespmem:s9+$0x3200] =	vst v1  }
.Ltmp2:
0xb8: {  	[tilespmem:s14+$0x3200] =	vst v0;
	(pc) =	sbr.rel @p1 .LBB2_2-.Ltmp2, $4  }
0xb9: {  	[spmem:s1] =	stream.indirect.scatter.add.f32 [tilespmem:s30], [sflag:$0x3], $0x10, s23, s17, $0xb8;
	[tilespmem:$0x6200] =	vst v63  }
0xba: {  	_ =	swait.ge [sflag:s31], $0x800  }
0xbb: {  	[sflag:s31] =	ssyncset.done $0x0  }
0xbc: {  	[sflag:s31] =	ssyncadd.s32 $0xFFFFF800  }
0xbd: {  	_ =	swait.ge [sflag:s18], $0x800  }
0xbe: {  	[sflag:s18] =	ssyncset.done $0x0  }
0xbf: {  	[sflag:s18] =	ssyncadd.s32 $0xFFFFF800  }
0xc0: {  	_ =	swait.ge [sflag:s18], $0x800  }
0xc1: {  	[sflag:s18] =	ssyncset.done $0x0  }
0xc2: {  	[sflag:s18] =	ssyncadd.s32 $0xFFFFF800  }
0xc3: {  	_ =	swait.ge [sflag:s18], $0x800  }
0xc4: {  	[sflag:s18] =	ssyncset.done $0x0  }
0xc5: {  	s9 =	simm.s32 $0x0;
	[sflag:s18] =	ssyncadd.s32 $0xFFFFF800  }
0xc6: {  	v0 =	vld [tilespmem:s9+$0x100]  }
0xc7: {  	v1 =	vld [tilespmem:s9+$0x900];
	_ =	sdelay $0x4  }
0xc8: {  	s10 =	simm.s32 $0x10;
	v0 =	vadd.f32 v1, v0  }
0xc9: {  	v2 =	vld [tilespmem:s10+$0x100]  }
0xca: {  	v3 =	vld [tilespmem:s10+$0x900];
	v1 =	vmul.f32 $2.000000030e-01, v0;
	_ =	sdelay $0x1  }
0xcb: {  	v0 =	vmax.f32 v0, v1  }
0xcc: {  	v0 =	vmul.f32 $1.442695020e+00, v0  }
0xcd: {  	s5 =	simm.s32 $0x20  }
0xce: {  	v4 =	vld [tilespmem:s5+$0x900];
	(erf) = vpow2.f32 v0;
	v0 =	vadd.f32 v3, v2  }
0xcf: {  	v1 =	vld [tilespmem:s5+$0x100]  }
0xd0: {  	v2 =	vmul.f32 $2.000000030e-01, v0;
	_ =	sdelay $0x1  }
0xd1: {  	v0 =	vmax.f32 v0, v2  }
0xd2: {  	s11 =	simm.s32 $0x30;
	v0 =	vmul.f32 $1.442695020e+00, v0  }
0xd3: {  	v3 =	vadd.f32 v4, v1;
	v1 =	vld [tilespmem:s11+$0x100]  }
0xd4: {  	v2 =	vld [tilespmem:s11+$0x900];
	(erf) = vpow2.f32 v0  }
0xd5: {  	v4 =	vmul.f32 $2.000000030e-01, v3;
	v0 =	vld [tilespmem:s9+$0x1100];
	_ =	sdelay $0x1  }
0xd6: {  	s14 =	simm.s32 $0x100;
	v4 =	vmax.f32 v3, v4;
	v3 =	vpop (erf)  }
.LBB2_8:
0xd7: {  	s15 =	sshra.s32 s14, $0x2;
	v4 =	vmul.f32 $1.442695020e+00, v4;
	v3 =	vbroadcast v3, $0x0;
	p1 =	sne.s32 s14, $0x1FC0  }
.Ltmp3:
0xd8: {  	s14 =	sadd.s32 $0x40, s14;
	v5 =	vadd.f32 v2, v1;
	v1 =	vld [tilespmem:s15+$0x100];
	(pc) =	sbr.rel @p1 .LBB2_8-.Ltmp3, $4  }
0xd9: {  	v2 =	vld [tilespmem:s15+$0x900];
	(erf) = vpow2.f32 v4;
	v6 =	vmul.f32 v3, v0  }
0xda: {  	v4 =	vmul.f32 $2.000000030e-01, v5;
	v0 =	vld [tilespmem:s10+$0x1100]  }
0xdb: {  	[tilespmem:s9+$0x3200] =	vst v6;
	s9 =	smov.u32 s10;
	s10 =	smov.u32 s5;
	s5 =	smov.u32 s11  }
0xdc: {  	s11 =	smov.u32 s15;
	v4 =	vmax.f32 v5, v4;
	v3 =	vpop (erf)  }
0xdd: {  	_ = 	snop  }
0xde: {  	v1 =	vadd.f32 v2, v1;
	_ =	sdelay $0x1  }
0xdf: {  	v2 =	vmul.f32 $2.000000030e-01, v1;
	_ =	sdelay $0x1  }
0xe0: {  	v4 =	vmul.f32 $1.442695020e+00, v4;
	v1 =	vmax.f32 v1, v2  }
0xe1: {  	v1 =	vmul.f32 $1.442695020e+00, v1  }
0xe2: {  	v58 =	vld [tilespmem:s10+$0x1100];
	(erf) = vpow2.f32 v4  }
0xe3: {  	(erf) = vpow2.f32 v1  }
0xe4: {  	v3 =	vbroadcast v3, $0x0;
	v59 =	vpop (erf)  }
0xe5: {  	v1 =	vbroadcast v59, $0x0  }
0xe6: {  	v0 =	vmul.f32 v3, v0  }
0xe7: {  	v60 =	vmul.f32 v1, v58  }
0xe8: {  	[tilespmem:s9+$0x3200] =	vst v0  }
0xe9: {  	v61 =	vld [tilespmem:s5+$0x1100];
	[tilespmem:s10+$0x3200] =	vst v60  }
0xea: {  	v0 =	vld [tilespmem:s11+$0x1100]  }
0xeb: {  	v62 =	vpop (erf)  }
0xec: {  	v2 =	vbroadcast v62, $0x0;
	v63 =	vpop (erf)  }
0xed: {  	v3 =	vbroadcast v63, $0x0  }
0xee: {  	v1 =	vmul.f32 v2, v61  }
0xef: {  	v0 =	vmul.f32 v3, v0  }
0xf0: {  	[tilespmem:s5+$0x3200] =	vst v1  }
0xf1: {  	[tilespmem:s11+$0x3200] =	vst v0  }
0xf2: {  	[spmem:s1] =	stream.indirect.scatter.add.f32 [tilespmem:s30], [sflag:$0x3], $0x10, s17, s17, $0xb8;
	[tilespmem:$0x6200] =	vst v63  }
0xf3: {  	_ =	swait.ge [sflag:s31], $0x800  }
0xf4: {  	[sflag:s31] =	ssyncset.done $0x0  }
0xf5: {  	[sflag:s31] =	ssyncadd.s32 $0xFFFFF800  }
0xf6: {  	s14 =	stileid.u32;
	[bflag:$0x0] =	sbarrier.arrive $0xFFFF  }
0xf7: {  	s5 =	sshll.u32 s14, $0x6;
	s15 =	rddreg [dreg:$0x6]  }
0xf8: {  	s5 =	sor.u32 $0x1C03, s5;
	s16 =	rddreg [dreg:$0x9]  }
0xf9: {  	[hbm:s15], [sflag:s5] =	dma.local [spmem:s16], $0x500  }
0xfa: {  	_ =	swait.ge [sflag:s31], $0x500  }
0xfb: {  	s0 =	sadd.s32 $0x1, s0;
	s25 =	rddreg [dreg:$0x7]  }
0xfc: {  	p1 =	sne.s32 s0, s25  }
.Ltmp4:
0xfd: {  	_ = 	snop;
	(pc) =	sbr.rel @p1 .LBB2_1-.Ltmp4, $3  }
0xfe: {  	_ =	sdelay $0x1  }
0xff: {  	[sflag:s31] =	ssyncset.done $0x0  }
0x100: {  	[sflag:s31] =	ssyncadd.s32 $0xFFFFFB00  }
0x101: {  	_ =	sfence.sel $0x180000  }
0x102: {  	[bflag:$0x0] =	sbarrier.arrive $0xFFFF  }
0x103: {  	_ =	strace $0x9000004A  }
0x104: {  	[bflag:$0x2] =	sbarrier.arrive $0xFFFF  }
0x105: {  	s0 =	rddreg [dreg:$0x2]  }
0x106: {  	s0 =	sadd.s32 @!p0 $0x100000, s0  }
0x107: {  	[sflag:s0] =	ssyncadd.tile.s32 @!p0 $0x1;
	_ =	shalt  }
.Lfunc_end2:
_tile_overlayer_lowered:
.L_overlay_start_2:
0x108: {  	(tag) =	ssettag $0x2  }
0x109: {  	s0 =	rddreg [dreg:$0x0];
	s2 =	stileid.u32  }
0x10a: {  	s1 =	rddreg [dreg:$0x1];
	p0 =	sne.s32 s2, $0x0  }
0x10b: {  	s3 =	rddreg [dreg:$0x2];
	[bflag:$0x3] =	sbarrier.arrive $0xFFFF;
	s2 =	simm.s32 @!p0 $0x1C03  }
0x10c: {  	[timem:s3], [sflag:s2] =	dma.local @!p0 [hbm:s0], s1  }
0x10d: {  	s0 =	simm.s32 @!p0 $0x3  }
0x10e: {  	_ =	swait.ge @!p0 [sflag:s0], s1  }
0x10f: {  	s1 =	ssub.s32 @!p0 $0x0, s1;
	[sflag:s0] =	ssyncset.done @!p0 $0x0  }
0x110: {  	[sflag:s0] =	ssyncadd.s32 @!p0 s1  }
0x111: {  	[bflag:$0x3] =	sbarrier.arrive $0xFFFF  }
0x112: {  	_ =	shalt  }

// kernel: kernel.7.cloned.1.call-start
scs
__scs_entry_jumppad:
0x0: {  	(pc) =	sbr.rel $0x88, $3  }
0x1: {  	(tag) =	ssettag $0x0;
	lr =	simm.s32 $0x1  }
0x2: {  	[smem:$0x3F97] =	sst lr;
	_ =	strace $0xD0000000  }
0x3: {  	_ = 	snop  }
0x4: {  	_ = 	snop  }
0x5: {  	_ = 	snop  }
0x6: {  	_ = 	snop  }
0x7: {  	_ = 	snop  }
__scs_overlays_trampoline_lowered:
0x8: {  	[smem:$0x3FA6] =	sst s0  }
0x9: {  	[smem:$0x3FA7] =	sst s1  }
0xa: {  	[smem:$0x3FA8] =	sst s2  }
0xb: {  	[smem:$0x3FA9] =	sst s3  }
0xc: {  	[smem:$0x3FAA] =	sst s4  }
0xd: {  	[smem:$0x3FAB] =	sst s5  }
0xe: {  	[smem:$0x3FAC] =	sst s6  }
0xf: {  	[smem:$0x3FAD] =	sst s7  }
0x10: {  	[smem:$0x3FAE] =	sst s8  }
0x11: {  	[smem:$0x3FAF] =	sst s9;
	s0 =	simm.s32 @!p0 $0x0  }
0x12: {  	s1 =	sld [smem:$0x3F95];
	s0 =	simm.s32 @p0 $0x1  }
0x13: {  	[smem:$0x3FB0] =	sst s0;
	s0 =	simm.s32 @!p1 $0x0  }
0x14: {  	s2 =	sld [smem:$0x3F94];
	s0 =	simm.s32 @p1 $0x1  }
0x15: {  	[smem:$0x3FB1] =	sst s0;
	s0 =	simm.s32 @!p2 $0x0  }
0x16: {  	s3 =	sld [smem:$0x3FDB];
	s0 =	simm.s32 @p2 $0x1  }
0x17: {  	s4 =	simm.s32 $0x1BF5;
	[smem:$0x3FB3] =	sst s0  }
0x18: {  	s0 =	sld [smem:$0x3F96];
	_ =	swait.ge [sflag:s4], $0x0  }
0x19: {  	s7 =	sld [smem:$0x3F97]  }
0x1a: {  	s8 =	sadd.s32 $0xFFFFE003, lr  }
0x1b: {  	s9 =	sadd.s32 $0xFFFFFEF7, lr;
	s5 =	simm.s32 $0xFFFFFFFF;
	p2 =	slt.u32 s8, $0xFFFFF086  }
0x1c: {  	p1 =	slt.u32 s9, $0xF7A;
	s5 =	simm.s32 @!p2 $0x0  }
0x1d: {  	s5 =	simm.s32 @p1 $0x1;
	p0 =	seq.s32 s7, s2  }
0x1e: {  	s7 =	smul.u32 @!p0 $0xF7A, s2;
	p2 =	seq.s32 @!p0 s5, $0x0  }
0x1f: {  	s9 =	smul.u32 $0xF7A, s1;
	s8 =	simm.s32 @!p0 $0x1BF5;
	p2 =	por !p2, p0  }
0x20: {  	[sflag:s8] =	ssyncset.s32 @!p0 $0xFFFFF086;
	s6 =	sadd.s32 @!p0 s3, s7;
	s7 =	simm.s32 @!p0 $0x108  }
0x21: {  	s3 =	sadd.s32 s3, s9;
	s6 =	sadd.s32 @!p0 $0x88, s6;
	s7 =	simm.s32 @p2 $0x1082  }
0x22: {  	[simem:s7], [sflag:s8] =	dma.local @!p0 [hbm:s6], $0xF7A  }
0x23: {  	s9 =	sor.u32 $0xD0000000, s2;
	s6 =	simm.s32 $0x108;
	_ =	swait.ge @!p0 [sflag:s8], $0x0  }
0x24: {  	s3 =	sadd.s32 $0x88, s3;
	s6 =	simm.s32 @!p1 $0x1082;
	[sflag:s4] =	ssyncset.s32 $0xFFFFF086  }
0x25: {  	[simem:s6], [sflag:s4] =	dma.local [hbm:s3], $0xF7A  }
0x26: {  	[smem:$0x3F97] =	sst s1;
	(tag) =	ssettag s2;
	_ =	strace s9  }
0x27: {  	s1 =	sld [smem:$0x3FA7]  }
0x28: {  	s2 =	sld [smem:$0x3FA8]  }
0x29: {  	s4 =	sld [smem:$0x3FAA]  }
0x2a: {  	p0 =	seq.s32 s5, $0x0;
	s5 =	sld [smem:$0x3FAB]  }
0x2b: {  	s6 =	sld [smem:$0x3FAC]  }
0x2c: {  	s7 =	sld [smem:$0x3FAD]  }
0x2d: {  	s3 =	simm.s32 $0x108;
	s8 =	sld [smem:$0x3FAE]  }
0x2e: {  	s3 =	simm.s32 @!p0 $0x1082;
	s9 =	sld [smem:$0x3FAF]  }
0x2f: {  	lr =	sadd.s32 s0, s3;
	s0 =	sld [smem:$0x3FA6]  }
0x30: {  	s3 =	sld [smem:$0x3FA9]  }
0x31: {  	[smem:$0x3FB2] =	sst s10  }
0x32: {  	s10 =	sld [smem:$0x3FB0];
	_ =	sdelay $0x3  }
0x33: {  	p0 =	seq.s32 s10, $0x1;
	s10 =	sld [smem:$0x3FB2];
	_ =	sdelay $0x3  }
0x34: {  	[smem:$0x3FB2] =	sst s10  }
0x35: {  	s10 =	sld [smem:$0x3FB1];
	_ =	sdelay $0x3  }
0x36: {  	p1 =	seq.s32 s10, $0x1;
	s10 =	sld [smem:$0x3FB2];
	_ =	sdelay $0x3  }
0x37: {  	[smem:$0x3FB2] =	sst s10  }
0x38: {  	s10 =	sld [smem:$0x3FB3]  }
0x39: {  	_ = 	snop;
	(pc) =	sbr.ind lr, $3  }
0x3a: {  	_ = 	snop  }
0x3b: {  	_ = 	snop  }
0x3c: {  	p2 =	seq.s32 s10, $0x1;
	s10 =	sld [smem:$0x3FB2]  }
0x3d: {  	_ =	shalt  }
0x3e: {  	_ =	shalt  }
0x3f: {  	_ =	shalt  }
0x40: {  	_ =	shalt  }
0x41: {  	_ =	shalt  }
0x42: {  	_ =	shalt  }
0x43: {  	_ =	shalt  }
0x44: {  	_ =	shalt  }
0x45: {  	_ =	shalt  }
0x46: {  	_ =	shalt  }
0x47: {  	_ =	shalt  }
0x48: {  	_ =	shalt  }
0x49: {  	_ =	shalt  }
0x4a: {  	_ =	shalt  }
0x4b: {  	_ =	shalt  }
0x4c: {  	_ =	shalt  }
0x4d: {  	_ =	shalt  }
0x4e: {  	_ =	shalt  }
0x4f: {  	_ =	shalt  }
0x50: {  	_ =	shalt  }
0x51: {  	_ =	shalt  }
0x52: {  	_ =	shalt  }
0x53: {  	_ =	shalt  }
0x54: {  	_ =	shalt  }
0x55: {  	_ =	shalt  }
0x56: {  	_ =	shalt  }
0x57: {  	_ =	shalt  }
0x58: {  	_ =	shalt  }
0x59: {  	_ =	shalt  }
0x5a: {  	_ =	shalt  }
0x5b: {  	_ =	shalt  }
0x5c: {  	_ =	shalt  }
0x5d: {  	_ =	shalt  }
0x5e: {  	_ =	shalt  }
0x5f: {  	_ =	shalt  }
0x60: {  	_ =	shalt  }
0x61: {  	_ =	shalt  }
0x62: {  	_ =	shalt  }
0x63: {  	_ =	shalt  }
0x64: {  	_ =	shalt  }
0x65: {  	_ =	shalt  }
0x66: {  	_ =	shalt  }
0x67: {  	_ =	shalt  }
0x68: {  	_ =	shalt  }
0x69: {  	_ =	shalt  }
0x6a: {  	_ =	shalt  }
0x6b: {  	_ =	shalt  }
0x6c: {  	_ =	shalt  }
0x6d: {  	_ =	shalt  }
0x6e: {  	_ =	shalt  }
0x6f: {  	_ =	shalt  }
0x70: {  	_ =	shalt  }
0x71: {  	_ =	shalt  }
0x72: {  	_ =	shalt  }
0x73: {  	_ =	shalt  }
0x74: {  	_ =	shalt  }
0x75: {  	_ =	shalt  }
0x76: {  	_ =	shalt  }
0x77: {  	_ =	shalt  }
0x78: {  	_ =	shalt  }
0x79: {  	_ =	shalt  }
0x7a: {  	_ =	shalt  }
0x7b: {  	_ =	shalt  }
0x7c: {  	_ =	shalt  }
0x7d: {  	_ =	shalt  }
0x7e: {  	_ =	shalt  }
0x7f: {  	_ =	shalt  }
0x80: {  	_ =	shalt  }
0x81: {  	_ =	shalt  }
0x82: {  	_ =	shalt  }
0x83: {  	_ =	shalt  }
0x84: {  	_ =	shalt  }
0x85: {  	_ =	shalt  }
0x86: {  	_ =	shalt  }
0x87: {  	_ =	shalt  }
.Lfunc_end0:
.L_simem_size_0:
called_computation_lowered:
.L_overlay_start_0:
0x88: {  	s2 =	sld [smem:$0x3FD9]  }
0x89: {  	s3 =	sld [smem:$0x3FFE];
	_ =	sdelay $0x1  }
0x8a: {  	s1 =	srdreg.scid  }
0x8b: {  	s0 =	sand.u32 $0x1, s1  }
0x8c: {  	s16 =	sshll.u32 s0, $0xA;
	s2 =	sadd.s32 s3, s2  }
0x8d: {  	s2 =	sadd.s32 s2, s16  }
0x8e: {  	[smem:$0x3FBE] =	sst s2  }
0x8f: {  	_ = 	snop  }
0x90: {  	(tm) =	ssettm $0x1  }
0x91: {  	s17 =	sld [smem:$0x3FFB];
	_ =	sdelay $0x3  }
0x92: {  	_ =	strace s17  }
0x93: {  	s2 =	sld [smem:$0x3FFC];
	_ =	sdelay $0x3  }
0x94: {  	_ =	strace s2  }
0x95: {  	s2 =	sld [smem:$0x3FFD];
	_ =	sdelay $0x3  }
0x96: {  	_ =	strace s2  }
0x97: {  	_ =	strace $0x8FFFFFFF  }
0x98: {  	s18 =	sld [smem:$0x3FDB];
	_ =	sdelay $0x1  }
0x99: {  	s19 =	simm.s32 $_scs_section_size  }
0x9a: {  	s4 =	simm.s32 $_size__tile_overlayer_lowered;
	s5 =	simm.s32 $_tile_overlayer_lowered  }
0x9b: {  	s22 =	simm.s32 $0x1BFF;
	s21 =	sshll.u32 s5, $0x1;
	s2 =	sadd.s32 s19, s18  }
0x9c: {  	s6 =	simm.s32 $0x0;
	s20 =	sshll.u32 s4, $0x1;
	s4 =	sadd.s32 s21, s2  }
0x9d: {  	[timem:s6], [sflag:s22] =	dma.local [hbm:s4], s20  }
0x9e: {  	_ =	swait.ge [sflag:s22], s20  }
0x9f: {  	s3 =	ssub.s32 $0x0, s20;
	[sflag:s22] =	ssyncset.done $0x0  }
0xa0: {  	[sflag:s22] =	ssyncadd.s32 s3;
	_ =	sdelay $0x1  }
0xa1: {  	s23 =	simm.s32 $0x1B8B  }
0xa2: {  	_ =	swait.ge [sflag:s23], $0x1  }
0xa3: {  	[sflag:s23] =	ssyncset.done $0x0  }
0xa4: {  	s25 =	simm.s32 $0x1B8E;
	s24 =	sld [smem:$0x3FFE];
	[sflag:s23] =	ssyncadd.s32 $0xFFFFFFFF  }
0xa5: {  	s26 =	simm.s32 $execute0_lowered;
	[smem:$0x3FD2] =	sst s25  }
0xa6: {  	s4 =	sshll.u32 s26, $0x1;
	_ =	strace $0x80000046;
	[dreg:$0x1] =	wrdreg $0xFFFFFFFF  }
0xa7: {  	s28 =	simm.s32 $_size_execute0_lowered;
	s2 =	sadd.s32 s2, s4;
	[dreg:$0x0] =	wrdreg $0x0  }
0xa8: {  	s4 =	sshll.u32 s28, $0x1;
	[dreg:$0x2] =	wrdreg s2  }
0xa9: {  	[dreg:$0x3] =	wrdreg s4  }
0xaa: {  	[dreg:$0x4] =	wrdreg $0xC0  }
0xab: {  	_ =	task [dreg:s6], $0x5FFFF  }
0xac: {  	[dreg:$0x1] =	wrdreg $0xFFFFFFFF  }
0xad: {  	[dreg:$0x0] =	wrdreg $0x60  }
0xae: {  	[dreg:$0x2] =	wrdreg s24  }
0xaf: {  	[dreg:$0x3] =	wrdreg $0x8A000  }
0xb0: {  	[dreg:$0x4] =	wrdreg $0x12A000  }
0xb1: {  	[dreg:$0x5] =	wrdreg $0x9  }
0xb2: {  	_ =	task.clear_ibuf [dreg:s6], $0x6FFFF;
	_ =	strace $0x90000046  }
0xb3: {  	s29 =	simm.s32 $0x9;
	_ =	strace $0x80000048  }
0xb4: {  	_ =	swait.ge [sflag:s29], $0x1  }
0xb5: {  	[sflag:s29] =	ssyncadd.s32 $0xFFFFFFFF  }
0xb6: {  	_ =	strace $0x90000048  }
0xb7: {  	_ =	sfence  }
0xb8: {  	s30 =	sld [smem:$0x0];
	_ =	sdelay $0x2  }
0xb9: {  	s31 =	sshll.u32 s1, $0xD;
	s1 =	sshrl.u32 s1, $0x2  }
0xba: {  	s3 =	sand.u32 $0x4000, s31;
	s1 =	sadd.s32 s1, s30  }
0xbb: {  	s0 =	sor.u32 s3, s0;
	s1 =	sshll.u32 s1, $0x11  }
0xbc: {  	s0 =	sor.u32 s1, s0  }
0xbd: {  	s0 =	sadd.s32 $0x8F2B, s0  }
0xbe: {  	[sflag:s0] =	ssyncadd.remote.s32 $0x1  }
0xbf: {  	_ =	sfence.sel $0xFFFF  }
0xc0: {  	[dreg:$0x0] =	wrdreg $0xFFFFFFFF;
	(pc) =	sbr.abs _section_cstart, $3  }
0xc1: {  	[dreg:$0x1] =	wrdreg $0xFFFFFFFF  }
0xc2: {  	_ =	task.clear_ibuf [dreg:s6], $0x2FFFF;
	_ =	strace $0x9FFFFFFF  }
0xc3: {  	(tm) =	ssettm $0x7FFFFFFF  }
tec
execute0_lowered:
.L_overlay_start_1:
0x0: {  	(tag) =	ssettag $0x1  }
0x1: {  	s0 =	rddreg [dreg:$0x0]  }
0x2: {  	s1 =	rddreg [dreg:$0x1]  }
0x3: {  	s2 =	rddreg [dreg:$0x2];
	s3 =	simm.s32 $0x0  }
0x4: {  	s4 =	srdreg.scid;
	s25 =	stileid.u32;
	s21 =	simm.s32 $0x80  }
0x5: {  	s22 =	simm.s32 $0x1;
	s23 =	simm.s32 $0x100;
	s28 =	simm.s32 $0x1100  }
0x6: {  	s29 =	simm.s32 $0x3100;
	s30 =	simm.s32 $0x3180;
	s31 =	simm.s32 $0x2  }
0x7: {  	[smem:$0x7FF] =	sst s3;
	s5 =	sand.u32 $0x1, s4;
	s4 =	sadd.s32 $0x28400, s0  }
0x8: {  	s6 =	sadd.s32 $0x1E600, s0;
	s7 =	sadd.s32 $0x19600, s0;
	s11 =	smul.u32 $0xA000, s25  }
0x9: {  	s8 =	sadd.s32 $0x14600, s0;
	s9 =	sadd.s32 $0x600, s0;
	s13 =	sadd.s32 $0x37200, s0  }
0xa: {  	s26 =	smul.u32 $0x2800, s25;
	s14 =	sadd.s32 $0x32200, s0;
	s16 =	sshll.u32 s25, $0x1  }
0xb: {  	_ =	strace $0x80000047;
	s10 =	smul.u32 $0xA0000, s5;
	[dreg:$0x4] =	wrdreg s13  }
0xc: {  	p0 =	sne.s32 s25, $0x0;
	s12 =	smul.u32 $0x28000, s5;
	[dreg:$0x5] =	wrdreg s14  }
0xd: {  	s14 =	sor.u32 s5, s16;
	s5 =	ssub.s32 $0x2, s5;
	s3 =	sshrl.u32 @!p0 s1, $0x3  }
0xe: {  	s13 =	simm.s32 $0x6200;
	s15 =	smul.u32 $0x4F0, s14;
	s17 =	sshrl.u32 s5, $0x1  }
0xf: {  	s16 =	smul.u32 $0x4F, s14;
	s20 =	sadd.s32 s11, s1;
	s24 =	sadd.s32 s26, s2  }
0x10: {  	[dreg:$0xb] =	wrdreg s3;
	s3 =	sshrl.u32 @!p0 s2, $0x3;
	s10 =	sadd.s32 s11, s10  }
0x11: {  	s12 =	sadd.s32 s26, s12;
	s5 =	ssub.s32 s5, s17;
	[dreg:$0xc] =	wrdreg s3  }
0x12: {  	s26 =	sshrl.u32 s20, $0x3;
	s11 =	simm.s32 $0x6A00;
	s10 =	sshrl.u32 s10, $0x3  }
0x13: {  	s12 =	sshrl.u32 s12, $0x3;
	s18 =	sadd.s32 s4, s15;
	s19 =	sadd.s32 s6, s15  }
0x14: {  	s14 =	sadd.s32 $0x1, s16;
	s15 =	sadd.s32 $0x2, s16;
	[dreg:$0xd] =	wrdreg s26  }
0x15: {  	s25 =	smax.u32 s5, $0x1;
	s26 =	simm.s32 $0x900;
	[dreg:$0x6] =	wrdreg s18  }
0x16: {  	s5 =	simm.s32 $0x3A00;
	s10 =	sadd.s32 s10, s0;
	[dreg:$0x7] =	wrdreg s19  }
0x17: {  	s0 =	sadd.s32 s12, s0;
	[dreg:$0xa] =	wrdreg s25;
	s10 =	sadd.s32 $0x4B200, s10  }
0x18: {  	s16 =	simm.s32 $0x0;
	s0 =	sadd.s32 $0x73200, s0;
	[dreg:$0x8] =	wrdreg s10  }
0x19: {  	s12 =	simm.s32 $0x3;
	[dreg:$0x9] =	wrdreg s0;
	s0 =	sshrl.u32 s24, $0x3  }
0x1a: {  	vm0 =	vmmov $0xff;
	s10 =	simm.s32 $0x4200;
	[dreg:$0xe] =	wrdreg s0;
	s0 =	simm.s32 $0x3200  }
.LBB2_1:
0x1b: {  	s3 =	rddreg [dreg:$0x4]  }
0x1c: {  	s17 =	simm.s32 @!p0 $0x1C03;
	s18 =	rddreg [dreg:$0xb]  }
0x1d: {  	[spmem:s18], [sflag:s17] =	dma.local @!p0 [hbm:s3], $0x14000  }
0x1e: {  	s18 =	simm.s32 @!p0 $0x3  }
0x1f: {  	_ =	swait.ge @!p0 [sflag:s18], $0x14000  }
0x20: {  	[sflag:s18] =	ssyncset.done @!p0 $0x0;
	s3 =	rddreg [dreg:$0x5]  }
0x21: {  	s19 =	rddreg [dreg:$0xc];
	[sflag:s18] =	ssyncadd.s32 @!p0 $0xFFFEC000  }
0x22: {  	[spmem:s19], [sflag:s17] =	dma.local @!p0 [hbm:s3], $0x5000  }
0x23: {  	_ =	swait.ge @!p0 [sflag:s18], $0x5000  }
0x24: {  	[sflag:s18] =	ssyncset.done @!p0 $0x0  }
0x25: {  	[sflag:s18] =	ssyncadd.s32 @!p0 $0xFFFFB000  }
0x26: {  	[bflag:$0x0] =	sbarrier.arrive $0xFFFF  }
0x27: {  	s20 =	simm.s32 $0x0;
	s24 =	rddreg [dreg:$0x6]  }
0x28: {  	[tilespmem:s20], [sflag:$0x1] =	stream.linear.gather [hbm4b:s24+s20], $0x80, $0x38;
	[tilespmem:$0x15200] =	vst v63  }
0x29: {  	s25 =	rddreg [dreg:$0x7]  }
0x2a: {  	[tilespmem:s21], [sflag:$0x1] =	stream.linear.gather [hbm4b:s25+s20], $0x80, $0x38;
	[tilespmem:$0x15200] =	vst v63  }
0x2b: {  	_ =	swait.ge [sflag:s22], $0x80  }
0x2c: {  	[sflag:s22] =	ssyncset.done $0x0  }
0x2d: {  	[sflag:s22] =	ssyncadd.s32 $0xFFFFFF80  }
0x2e: {  	_ =	swait.ge [sflag:s22], $0x80  }
0x2f: {  	[sflag:s22] =	ssyncset.done $0x0  }
0x30: {  	[sflag:s22] =	ssyncadd.s32 $0xFFFFFF80  }
0x31: {  	[tilespmem:s23], [sflag:$0x1] =	stream.indirect.gather [hbm4b:s7+s21], $0x10, s20, s21, $0xb8;
	[tilespmem:$0x15200] =	vst v63  }
0x32: {  	_ = 	snop  }
0x33: {  	[tilespmem:s26], [sflag:$0x1] =	stream.indirect.gather [hbm4b:s8+s21], $0x10, s21, s21, $0xb8;
	[tilespmem:$0x15200] =	vst v63  }
0x34: {  	s17 =	simm.s32 $0x0  }
0x35: {  	[tilespmem:s28], [sflag:$0x1] =	stream.indirect.gather [hbm4b:s9+s21], $0x40, s20, s21, $0xb8;
	[tilespmem:$0x15200] =	vst v63  }
.LBB2_2:
0x36: {  	s18 =	sshll.u32 s17, $0x1  }
0x37: {  	s19 =	sadd.s32 s18, s14  }
0x38: {  	s19 =	sshll.u32 s19, $0x4  }
0x39: {  	s19 =	sand.u32 $0x1FFFFFF0, s19  }
0x3a: {  	s24 =	simm.s32 $0x0;
	s20 =	sadd.s32 s4, s19  }
0x3b: {  	[tilespmem:s29], [sflag:$0x2] =	stream.linear.gather [hbm4b:s20+s24], $0x80, $0x38;
	[tilespmem:$0x15200] =	vst v63  }
0x3c: {  	s19 =	sadd.s32 s6, s19  }
0x3d: {  	[tilespmem:s30], [sflag:$0x2] =	stream.linear.gather [hbm4b:s19+s24], $0x80, $0x38;
	[tilespmem:$0x15200] =	vst v63  }
0x3e: {  	_ =	swait.ge [sflag:s31], $0x80  }
0x3f: {  	[sflag:s31] =	ssyncset.done $0x0  }
0x40: {  	[sflag:s31] =	ssyncadd.s32 $0xFFFFFF80  }
0x41: {  	_ =	swait.ge [sflag:s31], $0x80  }
0x42: {  	[sflag:s31] =	ssyncset.done $0x0  }
0x43: {  	[sflag:s31] =	ssyncadd.s32 $0xFFFFFF80  }
0x44: {  	[tilespmem:s0], [sflag:$0x2] =	stream.indirect.gather [hbm4b:s7+s21], $0x10, s29, s21, $0xb8;
	[tilespmem:$0x15200] =	vst v63  }
0x45: {  	_ = 	snop  }
0x46: {  	[tilespmem:s5], [sflag:$0x2] =	stream.indirect.gather [hbm4b:s8+s21], $0x10, s30, s21, $0xb8;
	[tilespmem:$0x15200] =	vst v63  }
0x47: {  	_ = 	snop  }
0x48: {  	[tilespmem:s10], [sflag:$0x2] =	stream.indirect.gather [hbm4b:s9+s21], $0x40, s29, s21, $0xb8;
	[tilespmem:$0x15200] =	vst v63  }
0x49: {  	_ =	swait.ge [sflag:s22], $0x800  }
0x4a: {  	[sflag:s22] =	ssyncset.done $0x0  }
0x4b: {  	[sflag:s22] =	ssyncadd.s32 $0xFFFFF800  }
0x4c: {  	_ =	swait.ge [sflag:s22], $0x800  }
0x4d: {  	[sflag:s22] =	ssyncset.done $0x0  }
0x4e: {  	[sflag:s22] =	ssyncadd.s32 $0xFFFFF800  }
0x4f: {  	_ =	swait.ge [sflag:s22], $0x2000  }
0x50: {  	[sflag:s22] =	ssyncset.done $0x0  }
0x51: {  	s25 =	simm.s32 $0x0;
	[sflag:s22] =	ssyncadd.s32 $0xFFFFE000  }
0x52: {  	v0 =	vld [tilespmem:s25+$0x100]  }
0x53: {  	v1 =	vld [tilespmem:s25+$0x900];
	_ =	sdelay $0x4  }
0x54: {  	v0 =	vadd.f32 v1, v0;
	_ =	sdelay $0x1  }
0x55: {  	v1 =	vmul.f32 $2.000000030e-01, v0;
	_ =	sdelay $0x1  }
0x56: {  	v0 =	vmax.f32 v0, v1  }
0x57: {  	v0 =	vmul.f32 $1.442695020e+00, v0;
	_ =	sdelay $0x1  }
0x58: {  	(erf) = vpow2.f32 v0;
	_ =	sdelay $0x8  }
0x59: {  	v0 =	vpop (erf)  }
0x5a: {  	v1 =	vnsel vm0, $0x0, v0  }
0x5b: {  	s19 =	simm.s32 $0x1120;
	[tilespmem:s25+$0x6200] =	vst v1  }
0x5c: {  	v1 =	vld [tilespmem:s19+$0xFFFFFFE0];
	_ =	sdelay $0x1  }
0x5d: {  	v2 =	vbroadcast v0, $0x0;
	v3 =	vbroadcast v0, $0x1;
	_ =	sdelay $0x1  }
0x5e: {  	v2 =	vsel vm0, v2, v3  }
0x5f: {  	v1 =	vmul.f32 v2, v1  }
0x60: {  	s20 =	simm.s32 $0x6A20  }
0x61: {  	[tilespmem:s20+$0xFFFFFFE0] =	vst v1  }
0x62: {  	v1 =	vld [tilespmem:s19+$0xFFFFFFF0];
	_ =	sdelay $0x1  }
0x63: {  	v3 =	vbroadcast v0, $0x3;
	v2 =	vbroadcast v0, $0x2;
	_ =	sdelay $0x1  }
0x64: {  	v2 =	vsel vm0, v2, v3  }
0x65: {  	v1 =	vmul.f32 v2, v1;
	_ =	sdelay $0x1  }
0x66: {  	[tilespmem:s20+$0xFFFFFFF0] =	vst v1  }
0x67: {  	v1 =	vld [tilespmem:s19+$0x0];
	_ =	sdelay $0x1  }
0x68: {  	v3 =	vbroadcast v0, $0x5;
	v2 =	vbroadcast v0, $0x4;
	_ =	sdelay $0x1  }
0x69: {  	v2 =	vsel vm0, v2, v3  }
0x6a: {  	v1 =	vmul.f32 v2, v1;
	_ =	sdelay $0x1  }
0x6b: {  	[tilespmem:s20+$0x0] =	vst v1  }
0x6c: {  	v1 =	vld [tilespmem:s19+$0x10];
	_ =	sdelay $0x1  }
0x6d: {  	v2 =	vbroadcast v0, $0x6;
	v0 =	vbroadcast v0, $0x7;
	_ =	sdelay $0x1  }
0x6e: {  	v0 =	vsel vm0, v2, v0  }
0x6f: {  	s24 =	simm.s32 $0x40;
	s25 =	simm.s32 $0x6A20;
	v0 =	vmul.f32 v1, v0  }
.LBB2_3:
0x70: {  	p1 =	sne.s32 s24, $0x1FC0;
	s20 =	sadd.s32 $0x40, s20;
	s19 =	sadd.s32 $0x40, s19  }
0x71: {  	s3 =	sshra.s32 s24, $0x2;
	s24 =	sadd.s32 $0x40, s24;
	[tilespmem:s25+$0x10] =	vst v0;
	s25 =	smov.u32 s20  }
0x72: {  	v0 =	vld [tilespmem:s3+$0x100]  }
0x73: {  	v1 =	vld [tilespmem:s3+$0x900];
	_ =	sdelay $0x4  }
0x74: {  	v0 =	vadd.f32 v1, v0;
	_ =	sdelay $0x1  }
0x75: {  	v1 =	vmul.f32 $2.000000030e-01, v0;
	_ =	sdelay $0x1  }
0x76: {  	v0 =	vmax.f32 v0, v1  }
0x77: {  	v0 =	vmul.f32 $1.442695020e+00, v0;
	_ =	sdelay $0x1  }
0x78: {  	(erf) = vpow2.f32 v0;
	_ =	sdelay $0x8  }
0x79: {  	v0 =	vpop (erf)  }
0x7a: {  	v1 =	vnsel vm0, $0x0, v0;
	v2 =	vbroadcast v0, $0x0;
	v3 =	vbroadcast v0, $0x1  }
0x7b: {  	v4 =	vbroadcast v0, $0x4;
	[tilespmem:s3+$0x6200] =	vst v1;
	v1 =	vbroadcast v0, $0x2  }
0x7c: {  	v5 =	vbroadcast v0, $0x6;
	v2 =	vsel vm0, v2, v3;
	v3 =	vld [tilespmem:s19+$0xFFFFFFE0];
	_ =	sdelay $0x4  }
0x7d: {  	v2 =	vmul.f32 v2, v3;
	_ =	sdelay $0x1  }
0x7e: {  	[tilespmem:s20+$0xFFFFFFE0] =	vst v2  }
0x7f: {  	v2 =	vld [tilespmem:s19+$0xFFFFFFF0]  }
0x80: {  	v3 =	vbroadcast v0, $0x3;
	_ =	sdelay $0x1  }
0x81: {  	v1 =	vsel vm0, v1, v3;
	_ =	sdelay $0x1  }
0x82: {  	v1 =	vmul.f32 v1, v2;
	_ =	sdelay $0x1  }
0x83: {  	[tilespmem:s20+$0xFFFFFFF0] =	vst v1  }
0x84: {  	v1 =	vld [tilespmem:s19+$0x0]  }
0x85: {  	v2 =	vbroadcast v0, $0x5;
	_ =	sdelay $0x1  }
0x86: {  	v2 =	vsel vm0, v4, v2;
	_ =	sdelay $0x1  }
0x87: {  	v1 =	vmul.f32 v2, v1;
	_ =	sdelay $0x1  }
0x88: {  	[tilespmem:s20+$0x0] =	vst v1  }
0x89: {  	v1 =	vld [tilespmem:s19+$0x10]  }
.Ltmp0:
0x8a: {  	v0 =	vbroadcast v0, $0x7;
	(pc) =	sbr.rel @p1 .LBB2_3-.Ltmp0, $3  }
0x8b: {  	_ = 	snop  }
0x8c: {  	v0 =	vsel vm0, v5, v0;
	_ =	sdelay $0x1  }
0x8d: {  	v0 =	vmul.f32 v1, v0  }
0x8e: {  	_ = 	snop  }
0x8f: {  	[tilespmem:s25+$0x10] =	vst v0  }
0x90: {  	[spmem:s1] =	stream.indirect.scatter.add.f32 [tilespmem:s11], [sflag:$0x3], $0x40, s21, s21, $0xb8;
	[tilespmem:$0x15200] =	vst v63  }
0x91: {  	_ =	swait.ge [sflag:s12], $0x2000  }
0x92: {  	[sflag:s12] =	ssyncset.done $0x0  }
0x93: {  	s3 =	sadd.s32 s18, s15;
	[sflag:s12] =	ssyncadd.s32 $0xFFFFE000  }
0x94: {  	[spmem:s2] =	stream.indirect.scatter.add.f32 [tilespmem:s13], [sflag:$0x3], $0x10, s21, s21, $0xb8;
	[tilespmem:$0x15200] =	vst v63  }
0x95: {  	s3 =	sshll.u32 s3, $0x4;
	_ =	swait.ge [sflag:s12], $0x800  }
0x96: {  	s3 =	sand.u32 $0x1FFFFFF0, s3;
	[sflag:s12] =	ssyncset.done $0x0  }
0x97: {  	s19 =	simm.s32 $0x0;
	s24 =	sadd.s32 s4, s3;
	[sflag:s12] =	ssyncadd.s32 $0xFFFFF800  }
0x98: {  	[tilespmem:s19], [sflag:$0x1] =	stream.linear.gather [hbm4b:s24+s19], $0x80, $0x38;
	[tilespmem:$0x15200] =	vst v63  }
0x99: {  	s3 =	sadd.s32 s6, s3  }
0x9a: {  	[tilespmem:s21], [sflag:$0x1] =	stream.linear.gather [hbm4b:s3+s19], $0x80, $0x38;
	[tilespmem:$0x15200] =	vst v63  }
0x9b: {  	_ =	swait.ge [sflag:s22], $0x80  }
0x9c: {  	[sflag:s22] =	ssyncset.done $0x0  }
0x9d: {  	[sflag:s22] =	ssyncadd.s32 $0xFFFFFF80  }
0x9e: {  	_ =	swait.ge [sflag:s22], $0x80  }
0x9f: {  	[sflag:s22] =	ssyncset.done $0x0  }
0xa0: {  	[sflag:s22] =	ssyncadd.s32 $0xFFFFFF80  }
0xa1: {  	[tilespmem:s23], [sflag:$0x1] =	stream.indirect.gather [hbm4b:s7+s21], $0x10, s19, s21, $0xb8;
	[tilespmem:$0x15200] =	vst v63  }
0xa2: {  	_ = 	snop  }
0xa3: {  	[tilespmem:s26], [sflag:$0x1] =	stream.indirect.gather [hbm4b:s8+s21], $0x10, s21, s21, $0xb8;
	[tilespmem:$0x15200] =	vst v63  }
0xa4: {  	_ = 	snop  }
0xa5: {  	[tilespmem:s28], [sflag:$0x1] =	stream.indirect.gather [hbm4b:s9+s21], $0x40, s19, s21, $0xb8;
	[tilespmem:$0x15200] =	vst v63  }
0xa6: {  	_ =	swait.ge [sflag:s31], $0x800  }
0xa7: {  	[sflag:s31] =	ssyncset.done $0x0  }
0xa8: {  	[sflag:s31] =	ssyncadd.s32 $0xFFFFF800  }
0xa9: {  	_ =	swait.ge [sflag:s31], $0x800  }
0xaa: {  	[sflag:s31] =	ssyncset.done $0x0  }
0xab: {  	[sflag:s31] =	ssyncadd.s32 $0xFFFFF800  }
0xac: {  	_ =	swait.ge [sflag:s31], $0x2000  }
0xad: {  	[sflag:s31] =	ssyncset.done $0x0  }
0xae: {  	s25 =	simm.s32 $0x0;
	[sflag:s31] =	ssyncadd.s32 $0xFFFFE000  }
0xaf: {  	v0 =	vld [tilespmem:s25+$0x3200]  }
0xb0: {  	v1 =	vld [tilespmem:s25+$0x3A00];
	_ =	sdelay $0x4  }
0xb1: {  	v0 =	vadd.f32 v1, v0;
	_ =	sdelay $0x1  }
0xb2: {  	v1 =	vmul.f32 $2.000000030e-01, v0;
	_ =	sdelay $0x1  }
0xb3: {  	v0 =	vmax.f32 v0, v1  }
0xb4: {  	v0 =	vmul.f32 $1.442695020e+00, v0;
	_ =	sdelay $0x1  }
0xb5: {  	(erf) = vpow2.f32 v0;
	_ =	sdelay $0x8  }
0xb6: {  	v0 =	vpop (erf)  }
0xb7: {  	v1 =	vnsel vm0, $0x0, v0  }
0xb8: {  	s18 =	simm.s32 $0x4220;
	[tilespmem:s25+$0x6200] =	vst v1  }
0xb9: {  	v1 =	vld [tilespmem:s18+$0xFFFFFFE0];
	_ =	sdelay $0x1  }
0xba: {  	v2 =	vbroadcast v0, $0x0;
	v3 =	vbroadcast v0, $0x1;
	_ =	sdelay $0x1  }
0xbb: {  	v2 =	vsel vm0, v2, v3  }
0xbc: {  	v1 =	vmul.f32 v2, v1  }
0xbd: {  	s19 =	simm.s32 $0x6A20  }
0xbe: {  	[tilespmem:s19+$0xFFFFFFE0] =	vst v1  }
0xbf: {  	v1 =	vld [tilespmem:s18+$0xFFFFFFF0];
	_ =	sdelay $0x1  }
0xc0: {  	v3 =	vbroadcast v0, $0x3;
	v2 =	vbroadcast v0, $0x2;
	_ =	sdelay $0x1  }
0xc1: {  	v2 =	vsel vm0, v2, v3  }
0xc2: {  	v1 =	vmul.f32 v2, v1;
	_ =	sdelay $0x1  }
0xc3: {  	[tilespmem:s19+$0xFFFFFFF0] =	vst v1  }
0xc4: {  	v1 =	vld [tilespmem:s18+$0x0];
	_ =	sdelay $0x1  }
0xc5: {  	v3 =	vbroadcast v0, $0x5;
	v2 =	vbroadcast v0, $0x4;
	_ =	sdelay $0x1  }
0xc6: {  	v2 =	vsel vm0, v2, v3  }
0xc7: {  	v1 =	vmul.f32 v2, v1;
	_ =	sdelay $0x1  }
0xc8: {  	[tilespmem:s19+$0x0] =	vst v1  }
0xc9: {  	v1 =	vld [tilespmem:s18+$0x10];
	_ =	sdelay $0x1  }
0xca: {  	v2 =	vbroadcast v0, $0x6;
	v0 =	vbroadcast v0, $0x7;
	_ =	sdelay $0x1  }
0xcb: {  	v0 =	vsel vm0, v2, v0  }
0xcc: {  	s20 =	simm.s32 $0x40;
	s24 =	simm.s32 $0x6A20;
	v0 =	vmul.f32 v1, v0  }
.LBB2_5:
0xcd: {  	p1 =	sne.s32 s20, $0x1FC0;
	s19 =	sadd.s32 $0x40, s19;
	s18 =	sadd.s32 $0x40, s18  }
0xce: {  	s3 =	sshra.s32 s20, $0x2;
	s20 =	sadd.s32 $0x40, s20;
	[tilespmem:s24+$0x10] =	vst v0;
	s24 =	smov.u32 s19  }
0xcf: {  	v0 =	vld [tilespmem:s3+$0x3200]  }
0xd0: {  	v1 =	vld [tilespmem:s3+$0x3A00];
	_ =	sdelay $0x4  }
0xd1: {  	v0 =	vadd.f32 v1, v0;
	_ =	sdelay $0x1  }
0xd2: {  	v1 =	vmul.f32 $2.000000030e-01, v0;
	_ =	sdelay $0x1  }
0xd3: {  	v0 =	vmax.f32 v0, v1  }
0xd4: {  	v0 =	vmul.f32 $1.442695020e+00, v0;
	_ =	sdelay $0x1  }
0xd5: {  	(erf) = vpow2.f32 v0;
	_ =	sdelay $0x8  }
0xd6: {  	v0 =	vpop (erf)  }
0xd7: {  	v1 =	vnsel vm0, $0x0, v0;
	v2 =	vbroadcast v0, $0x0;
	v3 =	vbroadcast v0, $0x1  }
0xd8: {  	v4 =	vbroadcast v0, $0x4;
	[tilespmem:s3+$0x6200] =	vst v1;
	v1 =	vbroadcast v0, $0x2  }
0xd9: {  	v5 =	vbroadcast v0, $0x6;
	v2 =	vsel vm0, v2, v3;
	v3 =	vld [tilespmem:s18+$0xFFFFFFE0];
	_ =	sdelay $0x4  }
0xda: {  	v2 =	vmul.f32 v2, v3;
	_ =	sdelay $0x1  }
0xdb: {  	[tilespmem:s19+$0xFFFFFFE0] =	vst v2  }
0xdc: {  	v2 =	vld [tilespmem:s18+$0xFFFFFFF0]  }
0xdd: {  	v3 =	vbroadcast v0, $0x3;
	_ =	sdelay $0x1  }
0xde: {  	v1 =	vsel vm0, v1, v3;
	_ =	sdelay $0x1  }
0xdf: {  	v1 =	vmul.f32 v1, v2;
	_ =	sdelay $0x1  }
0xe0: {  	[tilespmem:s19+$0xFFFFFFF0] =	vst v1  }
0xe1: {  	v1 =	vld [tilespmem:s18+$0x0]  }
0xe2: {  	v2 =	vbroadcast v0, $0x5;
	_ =	sdelay $0x1  }
0xe3: {  	v2 =	vsel vm0, v4, v2;
	_ =	sdelay $0x1  }
0xe4: {  	v1 =	vmul.f32 v2, v1;
	_ =	sdelay $0x1  }
0xe5: {  	[tilespmem:s19+$0x0] =	vst v1  }
0xe6: {  	v1 =	vld [tilespmem:s18+$0x10]  }
.Ltmp1:
0xe7: {  	v0 =	vbroadcast v0, $0x7;
	(pc) =	sbr.rel @p1 .LBB2_5-.Ltmp1, $3  }
0xe8: {  	_ = 	snop  }
0xe9: {  	v0 =	vsel vm0, v5, v0;
	_ =	sdelay $0x1  }
0xea: {  	v0 =	vmul.f32 v1, v0  }
0xeb: {  	_ = 	snop  }
0xec: {  	[tilespmem:s24+$0x10] =	vst v0  }
0xed: {  	[spmem:s1] =	stream.indirect.scatter.add.f32 [tilespmem:s11], [sflag:$0x3], $0x40, s30, s21, $0xb8;
	[tilespmem:$0x15200] =	vst v63  }
0xee: {  	s17 =	sadd.s32 $0x1, s17;
	_ =	swait.ge [sflag:s12], $0x2000  }
0xef: {  	p1 =	sne.s32 s17, $0x27;
	[sflag:s12] =	ssyncset.done $0x0  }
.Ltmp2:
0xf0: {  	[sflag:s12] =	ssyncadd.s32 $0xFFFFE000;
	(pc) =	sbr.rel @p1 .LBB2_2-.Ltmp2, $4  }
0xf1: {  	[spmem:s2] =	stream.indirect.scatter.add.f32 [tilespmem:s13], [sflag:$0x3], $0x10, s30, s21, $0xb8;
	[tilespmem:$0x15200] =	vst v63  }
0xf2: {  	_ =	swait.ge [sflag:s12], $0x800  }
0xf3: {  	[sflag:s12] =	ssyncset.done $0x0  }
0xf4: {  	[sflag:s12] =	ssyncadd.s32 $0xFFFFF800  }
0xf5: {  	_ =	swait.ge [sflag:s22], $0x800  }
0xf6: {  	[sflag:s22] =	ssyncset.done $0x0  }
0xf7: {  	[sflag:s22] =	ssyncadd.s32 $0xFFFFF800  }
0xf8: {  	_ =	swait.ge [sflag:s22], $0x800  }
0xf9: {  	[sflag:s22] =	ssyncset.done $0x0  }
0xfa: {  	[sflag:s22] =	ssyncadd.s32 $0xFFFFF800  }
0xfb: {  	_ =	swait.ge [sflag:s22], $0x2000  }
0xfc: {  	[sflag:s22] =	ssyncset.done $0x0  }
0xfd: {  	s3 =	simm.s32 $0x0;
	[sflag:s22] =	ssyncadd.s32 $0xFFFFE000  }
0xfe: {  	v0 =	vld [tilespmem:s3+$0x100]  }
0xff: {  	v1 =	vld [tilespmem:s3+$0x900];
	_ =	sdelay $0x4  }
0x100: {  	v0 =	vadd.f32 v1, v0;
	_ =	sdelay $0x1  }
0x101: {  	v1 =	vmul.f32 $2.000000030e-01, v0;
	_ =	sdelay $0x1  }
0x102: {  	v0 =	vmax.f32 v0, v1  }
0x103: {  	v0 =	vmul.f32 $1.442695020e+00, v0;
	_ =	sdelay $0x1  }
0x104: {  	(erf) = vpow2.f32 v0;
	_ =	sdelay $0x8  }
0x105: {  	v0 =	vpop (erf)  }
0x106: {  	v1 =	vnsel vm0, $0x0, v0  }
0x107: {  	s17 =	simm.s32 $0x1120;
	[tilespmem:s3+$0x6200] =	vst v1  }
0x108: {  	v1 =	vld [tilespmem:s17+$0xFFFFFFE0];
	_ =	sdelay $0x1  }
0x109: {  	v2 =	vbroadcast v0, $0x0;
	v3 =	vbroadcast v0, $0x1;
	_ =	sdelay $0x1  }
0x10a: {  	v2 =	vsel vm0, v2, v3  }
0x10b: {  	v1 =	vmul.f32 v2, v1  }
0x10c: {  	s18 =	simm.s32 $0x6A20  }
0x10d: {  	[tilespmem:s18+$0xFFFFFFE0] =	vst v1  }
0x10e: {  	v1 =	vld [tilespmem:s17+$0xFFFFFFF0];
	_ =	sdelay $0x1  }
0x10f: {  	v3 =	vbroadcast v0, $0x3;
	v2 =	vbroadcast v0, $0x2;
	_ =	sdelay $0x1  }
0x110: {  	v2 =	vsel vm0, v2, v3  }
0x111: {  	v1 =	vmul.f32 v2, v1;
	_ =	sdelay $0x1  }
0x112: {  	[tilespmem:s18+$0xFFFFFFF0] =	vst v1  }
0x113: {  	v1 =	vld [tilespmem:s17+$0x0];
	_ =	sdelay $0x1  }
0x114: {  	v3 =	vbroadcast v0, $0x5;
	v2 =	vbroadcast v0, $0x4;
	_ =	sdelay $0x1  }
0x115: {  	v2 =	vsel vm0, v2, v3  }
0x116: {  	v1 =	vmul.f32 v2, v1;
	_ =	sdelay $0x1  }
0x117: {  	[tilespmem:s18+$0x0] =	vst v1  }
0x118: {  	v1 =	vld [tilespmem:s17+$0x10];
	_ =	sdelay $0x1  }
0x119: {  	v2 =	vbroadcast v0, $0x6;
	v0 =	vbroadcast v0, $0x7;
	_ =	sdelay $0x1  }
0x11a: {  	v0 =	vsel vm0, v2, v0  }
0x11b: {  	s19 =	simm.s32 $0x40;
	s20 =	simm.s32 $0x6A20;
	v0 =	vmul.f32 v1, v0  }
.LBB2_8:
0x11c: {  	p1 =	sne.s32 s19, $0x1FC0;
	s18 =	sadd.s32 $0x40, s18;
	s17 =	sadd.s32 $0x40, s17  }
0x11d: {  	s3 =	sshra.s32 s19, $0x2;
	s19 =	sadd.s32 $0x40, s19;
	[tilespmem:s20+$0x10] =	vst v0;
	s20 =	smov.u32 s18  }
0x11e: {  	v0 =	vld [tilespmem:s3+$0x100]  }
0x11f: {  	v1 =	vld [tilespmem:s3+$0x900];
	_ =	sdelay $0x4  }
0x120: {  	v0 =	vadd.f32 v1, v0;
	_ =	sdelay $0x1  }
0x121: {  	v1 =	vmul.f32 $2.000000030e-01, v0;
	_ =	sdelay $0x1  }
0x122: {  	v0 =	vmax.f32 v0, v1  }
0x123: {  	v0 =	vmul.f32 $1.442695020e+00, v0;
	_ =	sdelay $0x1  }
0x124: {  	(erf) = vpow2.f32 v0;
	_ =	sdelay $0x8  }
0x125: {  	v0 =	vpop (erf)  }
0x126: {  	v1 =	vnsel vm0, $0x0, v0;
	v2 =	vbroadcast v0, $0x0;
	v3 =	vbroadcast v0, $0x1  }
0x127: {  	v4 =	vbroadcast v0, $0x4;
	[tilespmem:s3+$0x6200] =	vst v1;
	v1 =	vbroadcast v0, $0x2  }
0x128: {  	v5 =	vbroadcast v0, $0x6;
	v2 =	vsel vm0, v2, v3;
	v3 =	vld [tilespmem:s17+$0xFFFFFFE0];
	_ =	sdelay $0x4  }
0x129: {  	v2 =	vmul.f32 v2, v3;
	_ =	sdelay $0x1  }
0x12a: {  	[tilespmem:s18+$0xFFFFFFE0] =	vst v2  }
0x12b: {  	v2 =	vld [tilespmem:s17+$0xFFFFFFF0]  }
0x12c: {  	v3 =	vbroadcast v0, $0x3;
	_ =	sdelay $0x1  }
0x12d: {  	v1 =	vsel vm0, v1, v3;
	_ =	sdelay $0x1  }
0x12e: {  	v1 =	vmul.f32 v1, v2;
	_ =	sdelay $0x1  }
0x12f: {  	[tilespmem:s18+$0xFFFFFFF0] =	vst v1  }
0x130: {  	v1 =	vld [tilespmem:s17+$0x0]  }
0x131: {  	v2 =	vbroadcast v0, $0x5;
	_ =	sdelay $0x1  }
0x132: {  	v2 =	vsel vm0, v4, v2;
	_ =	sdelay $0x1  }
0x133: {  	v1 =	vmul.f32 v2, v1;
	_ =	sdelay $0x1  }
0x134: {  	[tilespmem:s18+$0x0] =	vst v1  }
0x135: {  	v1 =	vld [tilespmem:s17+$0x10]  }
.Ltmp3:
0x136: {  	v0 =	vbroadcast v0, $0x7;
	(pc) =	sbr.rel @p1 .LBB2_8-.Ltmp3, $3  }
0x137: {  	_ = 	snop  }
0x138: {  	v0 =	vsel vm0, v5, v0;
	_ =	sdelay $0x1  }
0x139: {  	v0 =	vmul.f32 v1, v0  }
0x13a: {  	_ = 	snop  }
0x13b: {  	[tilespmem:s20+$0x10] =	vst v0  }
0x13c: {  	[spmem:s1] =	stream.indirect.scatter.add.f32 [tilespmem:s11], [sflag:$0x3], $0x40, s21, s21, $0xb8;
	[tilespmem:$0x15200] =	vst v63  }
0x13d: {  	_ =	swait.ge [sflag:s12], $0x2000  }
0x13e: {  	[sflag:s12] =	ssyncset.done $0x0  }
0x13f: {  	[sflag:s12] =	ssyncadd.s32 $0xFFFFE000  }
0x140: {  	[spmem:s2] =	stream.indirect.scatter.add.f32 [tilespmem:s13], [sflag:$0x3], $0x10, s21, s21, $0xb8;
	[tilespmem:$0x15200] =	vst v63  }
0x141: {  	_ =	swait.ge [sflag:s12], $0x800  }
0x142: {  	[sflag:s12] =	ssyncset.done $0x0  }
0x143: {  	[sflag:s12] =	ssyncadd.s32 $0xFFFFF800  }
0x144: {  	s3 =	stileid.u32;
	[bflag:$0x0] =	sbarrier.arrive $0xFFFF  }
0x145: {  	s3 =	sshll.u32 s3, $0x6;
	s17 =	rddreg [dreg:$0x8]  }
0x146: {  	s3 =	sor.u32 $0x1C03, s3;
	s18 =	rddreg [dreg:$0xd]  }
0x147: {  	[hbm:s17], [sflag:s3] =	dma.local [spmem:s18], $0x1400  }
0x148: {  	_ =	swait.ge [sflag:s12], $0x1400  }
0x149: {  	[sflag:s12] =	ssyncset.done $0x0;
	s20 =	rddreg [dreg:$0x9]  }
0x14a: {  	s24 =	rddreg [dreg:$0xe];
	[sflag:s12] =	ssyncadd.s32 $0xFFFFEC00  }
0x14b: {  	[hbm:s20], [sflag:s3] =	dma.local [spmem:s24], $0x500  }
0x14c: {  	_ =	swait.ge [sflag:s12], $0x500  }
0x14d: {  	s16 =	sadd.s32 $0x1, s16;
	s25 =	rddreg [dreg:$0xa]  }
0x14e: {  	p1 =	sne.s32 s16, s25  }
.Ltmp4:
0x14f: {  	_ = 	snop;
	(pc) =	sbr.rel @p1 .LBB2_1-.Ltmp4, $3  }
0x150: {  	_ =	sdelay $0x1  }
0x151: {  	[sflag:s12] =	ssyncset.done $0x0  }
0x152: {  	[sflag:s12] =	ssyncadd.s32 $0xFFFFFB00  }
0x153: {  	_ =	sfence.sel $0x180000  }
0x154: {  	[bflag:$0x0] =	sbarrier.arrive $0xFFFF  }
0x155: {  	_ =	strace $0x90000047  }
0x156: {  	[bflag:$0x2] =	sbarrier.arrive $0xFFFF  }
0x157: {  	s0 =	rddreg [dreg:$0x3]  }
0x158: {  	s0 =	sadd.s32 @!p0 $0x100000, s0  }
0x159: {  	[sflag:s0] =	ssyncadd.tile.s32 @!p0 $0x1;
	_ =	shalt  }
.Lfunc_end2:
_tile_overlayer_lowered:
.L_overlay_start_2:
0x15a: {  	(tag) =	ssettag $0x2  }
0x15b: {  	s0 =	rddreg [dreg:$0x0];
	s2 =	stileid.u32  }
0x15c: {  	s1 =	rddreg [dreg:$0x1];
	p0 =	sne.s32 s2, $0x0  }
0x15d: {  	s3 =	rddreg [dreg:$0x2];
	[bflag:$0x3] =	sbarrier.arrive $0xFFFF;
	s2 =	simm.s32 @!p0 $0x1C03  }
0x15e: {  	[timem:s3], [sflag:s2] =	dma.local @!p0 [hbm:s0], s1  }
0x15f: {  	s0 =	simm.s32 @!p0 $0x3  }
0x160: {  	_ =	swait.ge @!p0 [sflag:s0], s1  }
0x161: {  	s1 =	ssub.s32 @!p0 $0x0, s1;
	[sflag:s0] =	ssyncset.done @!p0 $0x0  }
0x162: {  	[sflag:s0] =	ssyncadd.s32 @!p0 s1  }
0x163: {  	[bflag:$0x3] =	sbarrier.arrive $0xFFFF  }
0x164: {  	_ =	shalt  }

</sc_bundles>
